<compile_context>
chip_gen: v7x
topology: tpu7x:2x2x1
jax: 0.10.2.dev20260603
libtpu: 0.0.44.dev20260713+nightly
codegen_flags: <defaults>
</compile_context>

<pallas_src>
import functools

import jax
import jax.numpy as jnp
from jax import lax
from jax.experimental import pallas as pl
from jax.experimental.pallas import tpu as pltpu
from jax.experimental.pallas import tpu_sc as plsc

NC = 2
NS = 16
NW = NC * NS
LANE = 16
EG = 128
NBUF = 4



def _make_deg_kernel(n_pad: int, e_pad: int):
    per_w = e_pad // NW
    mesh = plsc.VectorSubcoreMesh(
        core_axis_name="c", subcore_axis_name="s",
        num_cores=NC, num_subcores=NS)

    @functools.partial(
        pl.kernel, mesh=mesh,
        compiler_params=pltpu.CompilerParams(needs_layout_passes=False),
        out_type=jax.ShapeDtypeStruct((NW, n_pad), jnp.float32),
        scratch_types=[
            pltpu.VMEM((per_w,), jnp.int32),
            pltpu.VMEM((n_pad,), jnp.float32),
        ],
    )
    def deg_kernel(dst_hbm, out_hbm, dst_v, hist_v):
        cid = lax.axis_index("c")
        sid = lax.axis_index("s")
        wid = cid * NS + sid
        pltpu.sync_copy(dst_hbm.at[pl.ds(wid * per_w, per_w)], dst_v)
        zeros16 = jnp.zeros((LANE,), jnp.float32)
        ones16 = jnp.ones((LANE,), jnp.float32)

        def zero_body(i, carry):
            hist_v[pl.ds(i * LANE, LANE)] = zeros16
            return carry

        lax.fori_loop(0, n_pad // LANE, zero_body, 0)

        def acc_body(t, carry):
            idx = dst_v[pl.ds(t * LANE, LANE)]
            plsc.addupdate_scatter(hist_v, [idx], ones16)
            return carry

        lax.fori_loop(0, per_w // LANE, acc_body, 0)
        pltpu.sync_copy(hist_v, out_hbm.at[wid])

    return deg_kernel


def _make_edge_kernel(n_pad: int, groups_total: int, hd: int):
    gps = groups_total // NS
    zrows = n_pad // NS
    mesh = plsc.VectorSubcoreMesh(
        core_axis_name="c", subcore_axis_name="s",
        num_cores=NC, num_subcores=NS)

    @functools.partial(
        pl.kernel, mesh=mesh,
        compiler_params=pltpu.CompilerParams(
            needs_layout_passes=False, use_tc_tiling_on_sc=False),
        out_type=jax.ShapeDtypeStruct((NC, n_pad, hd), jnp.float32),
        scratch_types=[
            pltpu.VMEM((gps, EG), jnp.int32),
            pltpu.VMEM((gps, EG), jnp.int32),
        ] + [pltpu.VMEM((EG, hd), jnp.float32) for _ in range(NBUF)] + [
            pltpu.VMEM_SHARED((n_pad, hd), jnp.float32),
        ] + [pltpu.SemaphoreType.DMA for _ in range(NBUF)],
    )
    def edge_kernel(g_hbm, src_hbm, dst_hbm, z_hbm, out_hbm,
                    src_v, dst_v, *rest):
        rows = rest[:NBUF]
        acc = rest[NBUF]
        sems = rest[NBUF + 1:]
        cid = lax.axis_index("c")
        sid = lax.axis_index("s")
        table = g_hbm.at[cid]
        pltpu.sync_copy(z_hbm, acc.at[pl.ds(sid * zrows, zrows)])
        pltpu.sync_copy(src_hbm.at[pl.ds(sid * gps, gps)], src_v)
        pltpu.sync_copy(dst_hbm.at[pl.ds(sid * gps, gps)], dst_v)
        for b in range(NBUF):
            pltpu.async_copy(table.at[src_v.at[b]], rows[b], sems[b])
        plsc.subcore_barrier()

        def chunk_body(jc, carry):
            j0 = jc * NBUF
            for b in range(NBUF):
                j = j0 + b
                pltpu.make_async_copy(
                    table.at[src_v.at[j]], rows[b], sems[b]).wait()
                pltpu.sync_copy(rows[b], acc.at[dst_v.at[j]], add=True)
                pltpu.async_copy(
                    table.at[src_v.at[j + NBUF]], rows[b], sems[b])
            return carry

        lax.fori_loop(0, gps // NBUF - 1, chunk_body, 0)
        for b in range(NBUF):
            j = gps - NBUF + b
            pltpu.make_async_copy(
                table.at[src_v.at[j]], rows[b], sems[b]).wait()
            pltpu.sync_copy(rows[b], acc.at[dst_v.at[j]], add=True)
        plsc.subcore_barrier()
        plsc.subcore_barrier()
        pltpu.sync_copy(acc.at[pl.ds(sid * zrows, zrows)],
                        out_hbm.at[cid, pl.ds(sid * zrows, zrows)])

    return edge_kernel



_BN = 1024


def _split(h):
    hd = h.shape[-1] // 2
    return jnp.stack([h[:, :hd], h[:, hd:]], axis=0)


def _tc_first(x, w1, degs):
    n_pad, d = x.shape

    def body(x_ref, w_ref, deg_ref, g_ref, dinv_ref):
        deg = jnp.sum(deg_ref[...], axis=0) + 1.0
        dinv = lax.rsqrt(deg)[:, None]
        h = jnp.dot(x_ref[...], w_ref[...],
                    preferred_element_type=jnp.float32)
        g_ref[...] = _split(h * dinv)
        dinv_ref[...] = dinv

    return pl.pallas_call(
        body,
        grid=(n_pad // _BN,),
        in_specs=[
            pl.BlockSpec((_BN, d), lambda i: (i, 0)),
            pl.BlockSpec((d, d), lambda i: (0, 0)),
            pl.BlockSpec((NW, _BN), lambda i: (0, i)),
        ],
        out_specs=[
            pl.BlockSpec((NC, _BN, d // 2), lambda i: (0, i, 0)),
            pl.BlockSpec((_BN, 1), lambda i: (i, 0)),
        ],
        out_shape=[
            jax.ShapeDtypeStruct((NC, n_pad, d // 2), jnp.float32),
            jax.ShapeDtypeStruct((n_pad, 1), jnp.float32),
        ],
    )(x, w1, degs)


def _tc_mid(p, g1, dinv, b1, w2):
    _, n_pad, hd = g1.shape
    d = 2 * hd

    def body(p_ref, g_ref, dinv_ref, b_ref, w_ref, out_ref):
        s = jnp.concatenate([p_ref[0] + g_ref[0], p_ref[1] + g_ref[1]],
                            axis=-1)
        h = jnp.maximum(dinv_ref[...] * s + b_ref[...][None, :], 0.0)
        g2 = jnp.dot(h, w_ref[...],
                     preferred_element_type=jnp.float32) * dinv_ref[...]
        out_ref[...] = _split(g2)

    return pl.pallas_call(
        body,
        grid=(n_pad // _BN,),
        in_specs=[
            pl.BlockSpec((NC, _BN, hd), lambda i: (0, i, 0)),
            pl.BlockSpec((NC, _BN, hd), lambda i: (0, i, 0)),
            pl.BlockSpec((_BN, 1), lambda i: (i, 0)),
            pl.BlockSpec((d,), lambda i: (0,)),
            pl.BlockSpec((d, d), lambda i: (0, 0)),
        ],
        out_specs=pl.BlockSpec((NC, _BN, hd), lambda i: (0, i, 0)),
        out_shape=jax.ShapeDtypeStruct((NC, n_pad, hd), jnp.float32),
    )(p, g1, dinv, b1, w2)


def _tc_last(p, g2, dinv, b2):
    _, n_pad, hd = g2.shape
    d = 2 * hd

    def body(p_ref, g_ref, dinv_ref, b_ref, out_ref):
        s = jnp.concatenate([p_ref[0] + g_ref[0], p_ref[1] + g_ref[1]],
                            axis=-1)
        out_ref[...] = dinv_ref[...] * s + b_ref[...][None, :]

    return pl.pallas_call(
        body,
        grid=(n_pad // _BN,),
        in_specs=[
            pl.BlockSpec((NC, _BN, hd), lambda i: (0, i, 0)),
            pl.BlockSpec((NC, _BN, hd), lambda i: (0, i, 0)),
            pl.BlockSpec((_BN, 1), lambda i: (i, 0)),
            pl.BlockSpec((d,), lambda i: (0,)),
        ],
        out_specs=pl.BlockSpec((_BN, d), lambda i: (i, 0)),
        out_shape=jax.ShapeDtypeStruct((n_pad, d), jnp.float32),
    )(p, g2, dinv, b2)



def kernel(x, edge_index, W1, b1, W2, b2):
    n, d = x.shape
    e = edge_index.shape[1]
    hd = d // 2

    n_pad = ((n + 1 + _BN - 1) // _BN) * _BN
    gpm = 8 * NBUF
    gps = -(-e // (NS * EG))
    gps = -(-gps // gpm) * gpm
    e_pad = NS * gps * EG

    src = edge_index[0]
    dst = edge_index[1]
    pad = e_pad - e
    srcp = jnp.concatenate([src, jnp.zeros((pad,), edge_index.dtype)])
    dstp = jnp.concatenate([dst, jnp.full((pad,), n, edge_index.dtype)])
    src2 = srcp.reshape(NS * gps, EG)
    dst2 = dstp.reshape(NS * gps, EG)
    xp = jnp.pad(x, ((0, n_pad - n), (0, 0)))
    z = jnp.zeros((n_pad // NS, hd), jnp.float32)

    deg_k = _make_deg_kernel(n_pad, e_pad)
    edge_k = _make_edge_kernel(n_pad, NS * gps, hd)

    degs = deg_k(dstp)
    g1, dinv = _tc_first(xp, W1, degs)
    p1 = edge_k(g1, src2, dst2, z)
    g2 = _tc_mid(p1, g1, dinv, b1, W2)
    p2 = edge_k(g2, src2, dst2, z)
    out = _tc_last(p2, g2, dinv, b2)
    return out[:n]

# --- scband reference (transcript-rebuilt; emitter-appended) ---
"""Pipeline reference for scband-gcnencoder-4509715661437 (READ-ONLY COPY).

The authoritative reference and input builder live on the scoring server;
editing this copy changes nothing except your own understanding.
"""

import jax, jax.numpy as jnp
import numpy as np

N = 10000
E = 320000
D_IN = 128
D_HID = 128


def setup_inputs(seed: int = 0) -> dict:
    key = jax.random.key(seed)
    k1, k2, k3, k4, k5, k6 = jax.random.split(key, 6)
    x = jax.random.normal(k1, (N, D_IN), dtype=jnp.float32)
    edge_index = jax.random.randint(k2, (2, E), 0, N, dtype=jnp.int32)
    W1 = jax.random.normal(k3, (D_IN, D_HID), dtype=jnp.float32) * (1.0 / np.sqrt(D_IN))
    b1 = jnp.zeros((D_HID,), dtype=jnp.float32)
    W2 = jax.random.normal(k4, (D_HID, D_HID), dtype=jnp.float32) * (1.0 / np.sqrt(D_HID))
    b2 = jnp.zeros((D_HID,), dtype=jnp.float32)
    return {"x": x, "edge_index": edge_index, "W1": W1, "b1": b1, "W2": W2, "b2": b2}


def _gcn_conv(x, edge_index, W, b):
    # Faithful GCNConv: x' = D^{-1/2} (A + I) D^{-1/2} X W + b
    n = x.shape[0]
    src = edge_index[0]
    dst = edge_index[1]
    loop = jnp.arange(n, dtype=edge_index.dtype)
    src = jnp.concatenate([src, loop])
    dst = jnp.concatenate([dst, loop])
    # degree computed on destination (col) with unit edge weights, incl. self loops
    deg = jnp.zeros((n,), dtype=x.dtype).at[dst].add(1.0)
    deg_inv_sqrt = jnp.where(deg > 0, jax.lax.rsqrt(jnp.maximum(deg, 1e-12)), 0.0)
    norm = deg_inv_sqrt[src] * deg_inv_sqrt[dst]
    h = x @ W
    msg = h[src] * norm[:, None]
    out = jnp.zeros((n, W.shape[1]), dtype=x.dtype).at[dst].add(msg)
    return out + b


def reference(x, edge_index, W1, b1, W2, b2):
    h = _gcn_conv(x, edge_index, W1, b1)
    h = jax.nn.relu(h)
    out = _gcn_conv(h, edge_index, W2, b2)
    return out

if __name__ == "__main__":
    import jax
    _d = setup_inputs()
    print(jax.jit(kernel)(*tuple(_d.values())))

</pallas_src>

<mosaic_0001>
#map = affine_map<(d0, d1) -> (0)>
#map1 = affine_map<(d0, d1) -> (0, 0)>
module attributes {stable_mosaic.version = 14 : i64} {
  func.func @deg_kernel(%arg0: i32, %arg1: i32, %arg2: memref<327680xi32, #tpu.memory_space<hbm>>, %arg3: memref<32x10240xf32, #tpu.memory_space<hbm>>, %arg4: memref<10240xi32, #tpu.memory_space<vmem>>, %arg5: memref<10240xf32, #tpu.memory_space<vmem>>) attributes {dimension_semantics = [#tpu.dimension_semantics<core_parallel>, #tpu.dimension_semantics<subcore_parallel>], iteration_bounds = array<i64: 2, 16>, scalar_prefetch = 0 : i64, scratch_operands = 2 : i64, tpu.core_type = #tpu.core_type<sc_vector_subcore>, window_params = [{transform_indices = #map}, {transform_indices = #map1}]} {
    %mul3A = arith.constant 16 : i32
    %mul3A_0 = arith.muli %arg0, %mul3A : i32
    %add3A = arith.addi %mul3A_0, %arg1 : i32
    %mul3A_1 = arith.constant 10240 : i32
    %mul3A_2 = arith.muli %add3A, %mul3A_1 : i32
    "tpu.region"() ({
      %run_scoped3A = tpu.sem_alloc : memref<!tpu.dma_semaphore, #tpu.memory_space<semaphore_mem>>
      %dma_start3A = tpu.memref_slice %arg2[%mul3A_2] : memref<327680xi32, #tpu.memory_space<hbm>> -> memref<10240xi32, #tpu.memory_space<hbm>>
      %dma_start3A_17 = tpu.memref_slice %arg2[%mul3A_2] : memref<327680xi32, #tpu.memory_space<hbm>> -> memref<10240xi32, #tpu.memory_space<hbm>>
      tpu.enqueue_dma source(%dma_start3A_17 : memref<10240xi32, #tpu.memory_space<hbm>>) target(%arg4 : memref<10240xi32, #tpu.memory_space<vmem>>) target_semaphore(%run_scoped3A : memref<!tpu.dma_semaphore, #tpu.memory_space<semaphore_mem>>)
      %dma_wait3A = tpu.memref_slice %arg2[%mul3A_2] : memref<327680xi32, #tpu.memory_space<hbm>> -> memref<10240xi32, #tpu.memory_space<hbm>>
      %dma_wait3A_18 = tpu.memref_slice %arg2[%mul3A_2] : memref<327680xi32, #tpu.memory_space<hbm>> -> memref<10240xi32, #tpu.memory_space<hbm>>
      tpu.wait_dma2 semaphore(%run_scoped3A : memref<!tpu.dma_semaphore, #tpu.memory_space<semaphore_mem>>) src(%dma_wait3A_18 : memref<10240xi32, #tpu.memory_space<hbm>>) dst(%arg4 : memref<10240xi32, #tpu.memory_space<vmem>>)
      tpu.yield
    }) : () -> ()
    %broadcast_in_dim3A = arith.constant 0.000000e+00 : f32
    %broadcast_in_dim3A_3 = vector.broadcast %broadcast_in_dim3A : f32 to vector<16xf32>
    %broadcast_in_dim3A_4 = arith.constant 1.000000e+00 : f32
    %broadcast_in_dim3A_5 = vector.broadcast %broadcast_in_dim3A_4 : f32 to vector<16xf32>
    %scan3A = arith.constant 0 : i32
    %scan3A_6 = arith.constant 0 : i32
    %scan3A_7 = arith.constant 640 : i32
    %scan3A_8 = arith.addi %scan3A_6, %scan3A_7 : i32
    %scan3A_9 = arith.constant 1 : i32
    scf.for %scan3A_17 = %scan3A_6 to %scan3A_8 step %scan3A_9  : i32 {
      %mul3A_18 = arith.constant 16 : i32
      %mul3A_19 = arith.muli %scan3A_17, %mul3A_18 : i32
      %swap3A = arith.index_cast %mul3A_19 : i32 to index
      %swap3A_20 = tpu.vector_load %arg5[%swap3A] {strides = array<i32>} : memref<10240xf32, #tpu.memory_space<vmem>>, vector<16xf32>,
      tpu.vector_store %arg5[%swap3A], %broadcast_in_dim3A_3 {strides = array<i32>} : memref<10240xf32, #tpu.memory_space<vmem>>, vector<16xf32>,
    }
    %scan3A_10 = arith.constant 640 : i32
    %scan3A_11 = arith.constant 0 : i32
    %scan3A_12 = arith.constant 0 : i32
    %scan3A_13 = arith.constant 640 : i32
    %scan3A_14 = arith.addi %scan3A_12, %scan3A_13 : i32
    %scan3A_15 = arith.constant 1 : i32
    scf.for %scan3A_17 = %scan3A_12 to %scan3A_14 step %scan3A_15  : i32 {
      %mul3A_18 = arith.constant 16 : i32
      %mul3A_19 = arith.muli %scan3A_17, %mul3A_18 : i32
      %get3A = arith.index_cast %mul3A_19 : i32 to index
      %get3A_20 = tpu.vector_load %arg4[%get3A] {strides = array<i32>} : memref<10240xi32, #tpu.memory_space<vmem>>, vector<16xi32>,
      tpu.vector_store_idx %arg5[%get3A_20], %broadcast_in_dim3A_5 {add = true} : memref<10240xf32, #tpu.memory_space<vmem>>[vector<16xi32>], vector<16xf32>,
    }
    %scan3A_16 = arith.constant 640 : i32
    "tpu.region"() ({
      %run_scoped3A = tpu.sem_alloc : memref<!tpu.dma_semaphore, #tpu.memory_space<semaphore_mem>>
      %dma_start3A = arith.constant 0 : i32
      %dma_start3A_17 = tpu.memref_slice %arg3[%add3A, %dma_start3A] : memref<32x10240xf32, #tpu.memory_space<hbm>> -> memref<1x10240xf32, #tpu.memory_space<hbm>>
      %dma_start3A_18 = tpu.memref_squeeze %dma_start3A_17 : memref<1x10240xf32, #tpu.memory_space<hbm>> -> memref<10240xf32, #tpu.memory_space<hbm>>
      %dma_start3A_19 = arith.constant 0 : i32
      %dma_start3A_20 = tpu.memref_slice %arg3[%add3A, %dma_start3A_19] : memref<32x10240xf32, #tpu.memory_space<hbm>> -> memref<1x10240xf32, #tpu.memory_space<hbm>>
      %dma_start3A_21 = tpu.memref_squeeze %dma_start3A_20 : memref<1x10240xf32, #tpu.memory_space<hbm>> -> memref<10240xf32, #tpu.memory_space<hbm>>
      tpu.enqueue_dma source(%arg5 : memref<10240xf32, #tpu.memory_space<vmem>>) target(%dma_start3A_21 : memref<10240xf32, #tpu.memory_space<hbm>>) target_semaphore(%run_scoped3A : memref<!tpu.dma_semaphore, #tpu.memory_space<semaphore_mem>>)
      %dma_wait3A = arith.constant 0 : i32
      %dma_wait3A_22 = tpu.memref_slice %arg3[%add3A, %dma_wait3A] : memref<32x10240xf32, #tpu.memory_space<hbm>> -> memref<1x10240xf32, #tpu.memory_space<hbm>>
      %dma_wait3A_23 = tpu.memref_squeeze %dma_wait3A_22 : memref<1x10240xf32, #tpu.memory_space<hbm>> -> memref<10240xf32, #tpu.memory_space<hbm>>
      %dma_wait3A_24 = arith.constant 0 : i32
      %dma_wait3A_25 = tpu.memref_slice %arg3[%add3A, %dma_wait3A_24] : memref<32x10240xf32, #tpu.memory_space<hbm>> -> memref<1x10240xf32, #tpu.memory_space<hbm>>
      %dma_wait3A_26 = tpu.memref_squeeze %dma_wait3A_25 : memref<1x10240xf32, #tpu.memory_space<hbm>> -> memref<10240xf32, #tpu.memory_space<hbm>>
      tpu.wait_dma2 semaphore(%run_scoped3A : memref<!tpu.dma_semaphore, #tpu.memory_space<semaphore_mem>>) src(%arg5 : memref<10240xf32, #tpu.memory_space<vmem>>) dst(%dma_wait3A_26 : memref<10240xf32, #tpu.memory_space<hbm>>)
      tpu.yield
    }) : () -> ()
    return
  }
}

#map = affine_map<(d0, d1) -> (0, 0, 0)>
#map1 = affine_map<(d0, d1) -> (0, 0)>
module attributes {stable_mosaic.version = 14 : i64} {
  func.func @edge_kernel(%arg0: i32, %arg1: i32, %arg2: memref<2x10240x64xf32, #tpu.memory_space<hbm>>, %arg3: memref<2560x128xi32, #tpu.memory_space<hbm>>, %arg4: memref<2560x128xi32, #tpu.memory_space<hbm>>, %arg5: memref<640x64xf32, #tpu.memory_space<hbm>>, %arg6: memref<2x10240x64xf32, #tpu.memory_space<hbm>>, %arg7: memref<160x128xi32, #tpu.memory_space<vmem>>, %arg8: memref<160x128xi32, #tpu.memory_space<vmem>>, %arg9: memref<128x64xf32, #tpu.memory_space<vmem>>, %arg10: memref<128x64xf32, #tpu.memory_space<vmem>>, %arg11: memref<128x64xf32, #tpu.memory_space<vmem>>, %arg12: memref<128x64xf32, #tpu.memory_space<vmem>>, %arg13: memref<10240x64xf32, #tpu.memory_space<vmem_shared>>, %arg14: memref<!tpu.dma_semaphore, #tpu.memory_space<semaphore_mem>>, %arg15: memref<!tpu.dma_semaphore, #tpu.memory_space<semaphore_mem>>, %arg16: memref<!tpu.dma_semaphore, #tpu.memory_space<semaphore_mem>>, %arg17: memref<!tpu.dma_semaphore, #tpu.memory_space<semaphore_mem>>) attributes {dimension_semantics = [#tpu.dimension_semantics<core_parallel>, #tpu.dimension_semantics<subcore_parallel>], iteration_bounds = array<i64: 2, 16>, scalar_prefetch = 0 : i64, scratch_operands = 11 : i64, tpu.core_type = #tpu.core_type<sc_vector_subcore>, window_params = [{transform_indices = #map}, {transform_indices = #map1}, {transform_indices = #map1}, {transform_indices = #map1}, {transform_indices = #map}]} {
    %mul3A = arith.constant 640 : i32
    %mul3A_0 = arith.muli %arg1, %mul3A : i32
    "tpu.region"() ({
      %run_scoped3A_105 = tpu.sem_alloc : memref<!tpu.dma_semaphore, #tpu.memory_space<semaphore_mem>>
      %dma_start3A_106 = arith.constant 0 : i32
      %dma_start3A_107 = tpu.memref_slice %arg13[%mul3A_0, %dma_start3A_106] : memref<10240x64xf32, #tpu.memory_space<vmem_shared>> -> memref<640x64xf32, #tpu.memory_space<vmem_shared>>
      tpu.enqueue_dma source(%arg5 : memref<640x64xf32, #tpu.memory_space<hbm>>) target(%dma_start3A_107 : memref<640x64xf32, #tpu.memory_space<vmem_shared>>) target_semaphore(%run_scoped3A_105 : memref<!tpu.dma_semaphore, #tpu.memory_space<semaphore_mem>>)
      %dma_wait3A_108 = arith.constant 0 : i32
      %dma_wait3A_109 = tpu.memref_slice %arg13[%mul3A_0, %dma_wait3A_108] : memref<10240x64xf32, #tpu.memory_space<vmem_shared>> -> memref<640x64xf32, #tpu.memory_space<vmem_shared>>
      tpu.wait_dma2 semaphore(%run_scoped3A_105 : memref<!tpu.dma_semaphore, #tpu.memory_space<semaphore_mem>>) src(%arg5 : memref<640x64xf32, #tpu.memory_space<hbm>>) dst(%dma_wait3A_109 : memref<640x64xf32, #tpu.memory_space<vmem_shared>>)
      tpu.yield
    }) : () -> ()
    %mul3A_1 = arith.constant 160 : i32
    %mul3A_2 = arith.muli %arg1, %mul3A_1 : i32
    "tpu.region"() ({
      %run_scoped3A_105 = tpu.sem_alloc : memref<!tpu.dma_semaphore, #tpu.memory_space<semaphore_mem>>
      %dma_start3A_106 = arith.constant 0 : i32
      %dma_start3A_107 = tpu.memref_slice %arg3[%mul3A_2, %dma_start3A_106] : memref<2560x128xi32, #tpu.memory_space<hbm>> -> memref<160x128xi32, #tpu.memory_space<hbm>>
      %dma_start3A_108 = arith.constant 0 : i32
      %dma_start3A_109 = tpu.memref_slice %arg3[%mul3A_2, %dma_start3A_108] : memref<2560x128xi32, #tpu.memory_space<hbm>> -> memref<160x128xi32, #tpu.memory_space<hbm>>
      tpu.enqueue_dma source(%dma_start3A_109 : memref<160x128xi32, #tpu.memory_space<hbm>>) target(%arg7 : memref<160x128xi32, #tpu.memory_space<vmem>>) target_semaphore(%run_scoped3A_105 : memref<!tpu.dma_semaphore, #tpu.memory_space<semaphore_mem>>)
      %dma_wait3A_110 = arith.constant 0 : i32
      %dma_wait3A_111 = tpu.memref_slice %arg3[%mul3A_2, %dma_wait3A_110] : memref<2560x128xi32, #tpu.memory_space<hbm>> -> memref<160x128xi32, #tpu.memory_space<hbm>>
      %dma_wait3A_112 = arith.constant 0 : i32
      %dma_wait3A_113 = tpu.memref_slice %arg3[%mul3A_2, %dma_wait3A_112] : memref<2560x128xi32, #tpu.memory_space<hbm>> -> memref<160x128xi32, #tpu.memory_space<hbm>>
      tpu.wait_dma2 semaphore(%run_scoped3A_105 : memref<!tpu.dma_semaphore, #tpu.memory_space<semaphore_mem>>) src(%dma_wait3A_113 : memref<160x128xi32, #tpu.memory_space<hbm>>) dst(%arg7 : memref<160x128xi32, #tpu.memory_space<vmem>>)
      tpu.yield
    }) : () -> ()
    %mul3A_3 = arith.constant 160 : i32
    %mul3A_4 = arith.muli %arg1, %mul3A_3 : i32
    "tpu.region"() ({
      %run_scoped3A_105 = tpu.sem_alloc : memref<!tpu.dma_semaphore, #tpu.memory_space<semaphore_mem>>
      %dma_start3A_106 = arith.constant 0 : i32
      %dma_start3A_107 = tpu.memref_slice %arg4[%mul3A_4, %dma_start3A_106] : memref<2560x128xi32, #tpu.memory_space<hbm>> -> memref<160x128xi32, #tpu.memory_space<hbm>>
      %dma_start3A_108 = arith.constant 0 : i32
      %dma_start3A_109 = tpu.memref_slice %arg4[%mul3A_4, %dma_start3A_108] : memref<2560x128xi32, #tpu.memory_space<hbm>> -> memref<160x128xi32, #tpu.memory_space<hbm>>
      tpu.enqueue_dma source(%dma_start3A_109 : memref<160x128xi32, #tpu.memory_space<hbm>>) target(%arg8 : memref<160x128xi32, #tpu.memory_space<vmem>>) target_semaphore(%run_scoped3A_105 : memref<!tpu.dma_semaphore, #tpu.memory_space<semaphore_mem>>)
      %dma_wait3A_110 = arith.constant 0 : i32
      %dma_wait3A_111 = tpu.memref_slice %arg4[%mul3A_4, %dma_wait3A_110] : memref<2560x128xi32, #tpu.memory_space<hbm>> -> memref<160x128xi32, #tpu.memory_space<hbm>>
      %dma_wait3A_112 = arith.constant 0 : i32
      %dma_wait3A_113 = tpu.memref_slice %arg4[%mul3A_4, %dma_wait3A_112] : memref<2560x128xi32, #tpu.memory_space<hbm>> -> memref<160x128xi32, #tpu.memory_space<hbm>>
      tpu.wait_dma2 semaphore(%run_scoped3A_105 : memref<!tpu.dma_semaphore, #tpu.memory_space<semaphore_mem>>) src(%dma_wait3A_113 : memref<160x128xi32, #tpu.memory_space<hbm>>) dst(%arg8 : memref<160x128xi32, #tpu.memory_space<vmem>>)
      tpu.yield
    }) : () -> ()
    %dma_start3A = arith.constant 0 : i32
    %dma_start3A_5 = arith.constant 0 : i32
    %dma_start3A_6 = tpu.memref_slice %arg7[%dma_start3A, %dma_start3A_5] : memref<160x128xi32, #tpu.memory_space<vmem>> -> memref<1x128xi32, #tpu.memory_space<vmem>>
    %dma_start3A_7 = tpu.memref_squeeze %dma_start3A_6 : memref<1x128xi32, #tpu.memory_space<vmem>> -> memref<128xi32, #tpu.memory_space<vmem>>
    %dma_start3A_8 = arith.constant 0 : i32
    %dma_start3A_9 = arith.constant 0 : i32
    %dma_start3A_10 = tpu.memref_slice %arg2[%arg0, %dma_start3A_8, %dma_start3A_9] : memref<2x10240x64xf32, #tpu.memory_space<hbm>> -> memref<1x10240x64xf32, #tpu.memory_space<hbm>>
    %dma_start3A_11 = tpu.memref_squeeze %dma_start3A_10 : memref<1x10240x64xf32, #tpu.memory_space<hbm>> -> memref<10240x64xf32, #tpu.memory_space<hbm>>
    %dma_start3A_12 = arith.constant 0 : i32
    %dma_start3A_13 = arith.constant 0 : i32
    %dma_start3A_14 = tpu.memref_slice %dma_start3A_11[%dma_start3A_12, %dma_start3A_13] : memref<10240x64xf32, #tpu.memory_space<hbm>> -> memref<10240x64xf32, #tpu.memory_space<hbm>>
    tpu.enqueue_indirect_dma source(%dma_start3A_14 : memref<10240x64xf32, #tpu.memory_space<hbm>>) target(%arg9 : memref<128x64xf32, #tpu.memory_space<vmem>>) offsets(%dma_start3A_7 : memref<128xi32, #tpu.memory_space<vmem>>) semaphore(%arg14 : memref<!tpu.dma_semaphore, #tpu.memory_space<semaphore_mem>>)
    %dma_start3A_15 = arith.constant 1 : i32
    %dma_start3A_16 = arith.constant 0 : i32
    %dma_start3A_17 = tpu.memref_slice %arg7[%dma_start3A_15, %dma_start3A_16] : memref<160x128xi32, #tpu.memory_space<vmem>> -> memref<1x128xi32, #tpu.memory_space<vmem>>
    %dma_start3A_18 = tpu.memref_squeeze %dma_start3A_17 : memref<1x128xi32, #tpu.memory_space<vmem>> -> memref<128xi32, #tpu.memory_space<vmem>>
    %dma_start3A_19 = arith.constant 0 : i32
    %dma_start3A_20 = arith.constant 0 : i32
    %dma_start3A_21 = tpu.memref_slice %arg2[%arg0, %dma_start3A_19, %dma_start3A_20] : memref<2x10240x64xf32, #tpu.memory_space<hbm>> -> memref<1x10240x64xf32, #tpu.memory_space<hbm>>
    %dma_start3A_22 = tpu.memref_squeeze %dma_start3A_21 : memref<1x10240x64xf32, #tpu.memory_space<hbm>> -> memref<10240x64xf32, #tpu.memory_space<hbm>>
    %dma_start3A_23 = arith.constant 0 : i32
    %dma_start3A_24 = arith.constant 0 : i32
    %dma_start3A_25 = tpu.memref_slice %dma_start3A_22[%dma_start3A_23, %dma_start3A_24] : memref<10240x64xf32, #tpu.memory_space<hbm>> -> memref<10240x64xf32, #tpu.memory_space<hbm>>
    tpu.enqueue_indirect_dma source(%dma_start3A_25 : memref<10240x64xf32, #tpu.memory_space<hbm>>) target(%arg10 : memref<128x64xf32, #tpu.memory_space<vmem>>) offsets(%dma_start3A_18 : memref<128xi32, #tpu.memory_space<vmem>>) semaphore(%arg15 : memref<!tpu.dma_semaphore, #tpu.memory_space<semaphore_mem>>)
    %dma_start3A_26 = arith.constant 2 : i32
    %dma_start3A_27 = arith.constant 0 : i32
    %dma_start3A_28 = tpu.memref_slice %arg7[%dma_start3A_26, %dma_start3A_27] : memref<160x128xi32, #tpu.memory_space<vmem>> -> memref<1x128xi32, #tpu.memory_space<vmem>>
    %dma_start3A_29 = tpu.memref_squeeze %dma_start3A_28 : memref<1x128xi32, #tpu.memory_space<vmem>> -> memref<128xi32, #tpu.memory_space<vmem>>
    %dma_start3A_30 = arith.constant 0 : i32
    %dma_start3A_31 = arith.constant 0 : i32
    %dma_start3A_32 = tpu.memref_slice %arg2[%arg0, %dma_start3A_30, %dma_start3A_31] : memref<2x10240x64xf32, #tpu.memory_space<hbm>> -> memref<1x10240x64xf32, #tpu.memory_space<hbm>>
    %dma_start3A_33 = tpu.memref_squeeze %dma_start3A_32 : memref<1x10240x64xf32, #tpu.memory_space<hbm>> -> memref<10240x64xf32, #tpu.memory_space<hbm>>
    %dma_start3A_34 = arith.constant 0 : i32
    %dma_start3A_35 = arith.constant 0 : i32
    %dma_start3A_36 = tpu.memref_slice %dma_start3A_33[%dma_start3A_34, %dma_start3A_35] : memref<10240x64xf32, #tpu.memory_space<hbm>> -> memref<10240x64xf32, #tpu.memory_space<hbm>>
    tpu.enqueue_indirect_dma source(%dma_start3A_36 : memref<10240x64xf32, #tpu.memory_space<hbm>>) target(%arg11 : memref<128x64xf32, #tpu.memory_space<vmem>>) offsets(%dma_start3A_29 : memref<128xi32, #tpu.memory_space<vmem>>) semaphore(%arg16 : memref<!tpu.dma_semaphore, #tpu.memory_space<semaphore_mem>>)
    %dma_start3A_37 = arith.constant 3 : i32
    %dma_start3A_38 = arith.constant 0 : i32
    %dma_start3A_39 = tpu.memref_slice %arg7[%dma_start3A_37, %dma_start3A_38] : memref<160x128xi32, #tpu.memory_space<vmem>> -> memref<1x128xi32, #tpu.memory_space<vmem>>
    %dma_start3A_40 = tpu.memref_squeeze %dma_start3A_39 : memref<1x128xi32, #tpu.memory_space<vmem>> -> memref<128xi32, #tpu.memory_space<vmem>>
    %dma_start3A_41 = arith.constant 0 : i32
    %dma_start3A_42 = arith.constant 0 : i32
    %dma_start3A_43 = tpu.memref_slice %arg2[%arg0, %dma_start3A_41, %dma_start3A_42] : memref<2x10240x64xf32, #tpu.memory_space<hbm>> -> memref<1x10240x64xf32, #tpu.memory_space<hbm>>
    %dma_start3A_44 = tpu.memref_squeeze %dma_start3A_43 : memref<1x10240x64xf32, #tpu.memory_space<hbm>> -> memref<10240x64xf32, #tpu.memory_space<hbm>>
    %dma_start3A_45 = arith.constant 0 : i32
    %dma_start3A_46 = arith.constant 0 : i32
    %dma_start3A_47 = tpu.memref_slice %dma_start3A_44[%dma_start3A_45, %dma_start3A_46] : memref<10240x64xf32, #tpu.memory_space<hbm>> -> memref<10240x64xf32, #tpu.memory_space<hbm>>
    tpu.enqueue_indirect_dma source(%dma_start3A_47 : memref<10240x64xf32, #tpu.memory_space<hbm>>) target(%arg12 : memref<128x64xf32, #tpu.memory_space<vmem>>) offsets(%dma_start3A_40 : memref<128xi32, #tpu.memory_space<vmem>>) semaphore(%arg17 : memref<!tpu.dma_semaphore, #tpu.memory_space<semaphore_mem>>)
    %barrier3A = arith.constant 0 : index
    tpu.barrier barrier_id(%barrier3A)
    %scan3A = arith.constant 0 : i32
    %scan3A_48 = arith.constant 0 : i32
    %scan3A_49 = arith.constant 39 : i32
    %scan3A_50 = arith.addi %scan3A_48, %scan3A_49 : i32
    %scan3A_51 = arith.constant 1 : i32
    scf.for %scan3A_105 = %scan3A_48 to %scan3A_50 step %scan3A_51  : i32 {
      %mul3A_106 = arith.constant 4 : i32
      %mul3A_107 = arith.muli %scan3A_105, %mul3A_106 : i32
      %add3A = arith.constant 0 : i32
      %add3A_108 = arith.addi %mul3A_107, %add3A : i32
      %dma_wait3A_109 = arith.constant 0 : i32
      %dma_wait3A_110 = tpu.memref_slice %arg7[%add3A_108, %dma_wait3A_109] : memref<160x128xi32, #tpu.memory_space<vmem>> -> memref<1x128xi32, #tpu.memory_space<vmem>>
      %dma_wait3A_111 = tpu.memref_squeeze %dma_wait3A_110 : memref<1x128xi32, #tpu.memory_space<vmem>> -> memref<128xi32, #tpu.memory_space<vmem>>
      %dma_wait3A_112 = arith.constant 0 : i32
      %dma_wait3A_113 = arith.constant 0 : i32
      %dma_wait3A_114 = tpu.memref_slice %arg2[%arg0, %dma_wait3A_112, %dma_wait3A_113] : memref<2x10240x64xf32, #tpu.memory_space<hbm>> -> memref<1x10240x64xf32, #tpu.memory_space<hbm>>
      %dma_wait3A_115 = tpu.memref_squeeze %dma_wait3A_114 : memref<1x10240x64xf32, #tpu.memory_space<hbm>> -> memref<10240x64xf32, #tpu.memory_space<hbm>>
      %dma_wait3A_116 = arith.constant 0 : i32
      %dma_wait3A_117 = arith.constant 0 : i32
      %dma_wait3A_118 = tpu.memref_slice %dma_wait3A_115[%dma_wait3A_116, %dma_wait3A_117] : memref<10240x64xf32, #tpu.memory_space<hbm>> -> memref<10240x64xf32, #tpu.memory_space<hbm>>
      tpu.wait_indirect_dma semaphore(%arg14 : memref<!tpu.dma_semaphore, #tpu.memory_space<semaphore_mem>>) src(%dma_wait3A_118 : memref<10240x64xf32, #tpu.memory_space<hbm>>) dst(%arg9 : memref<128x64xf32, #tpu.memory_space<vmem>>)
      "tpu.region"() ({
        %run_scoped3A_203 = tpu.sem_alloc : memref<!tpu.dma_semaphore, #tpu.memory_space<semaphore_mem>>
        %dma_start3A_204 = arith.constant 0 : i32
        %dma_start3A_205 = tpu.memref_slice %arg8[%add3A_108, %dma_start3A_204] : memref<160x128xi32, #tpu.memory_space<vmem>> -> memref<1x128xi32, #tpu.memory_space<vmem>>
        %dma_start3A_206 = tpu.memref_squeeze %dma_start3A_205 : memref<1x128xi32, #tpu.memory_space<vmem>> -> memref<128xi32, #tpu.memory_space<vmem>>
        %dma_start3A_207 = arith.constant 0 : i32
        %dma_start3A_208 = arith.constant 0 : i32
        %dma_start3A_209 = tpu.memref_slice %arg13[%dma_start3A_207, %dma_start3A_208] : memref<10240x64xf32, #tpu.memory_space<vmem_shared>> -> memref<10240x64xf32, #tpu.memory_space<vmem_shared>>
        tpu.enqueue_indirect_dma source(%arg9 : memref<128x64xf32, #tpu.memory_space<vmem>>) target(%dma_start3A_209 : memref<10240x64xf32, #tpu.memory_space<vmem_shared>>) offsets(%dma_start3A_206 : memref<128xi32, #tpu.memory_space<vmem>>) semaphore(%run_scoped3A_203 : memref<!tpu.dma_semaphore, #tpu.memory_space<semaphore_mem>>) {add = true}
        %dma_wait3A_210 = arith.constant 0 : i32
        %dma_wait3A_211 = tpu.memref_slice %arg8[%add3A_108, %dma_wait3A_210] : memref<160x128xi32, #tpu.memory_space<vmem>> -> memref<1x128xi32, #tpu.memory_space<vmem>>
        %dma_wait3A_212 = tpu.memref_squeeze %dma_wait3A_211 : memref<1x128xi32, #tpu.memory_space<vmem>> -> memref<128xi32, #tpu.memory_space<vmem>>
        %dma_wait3A_213 = arith.constant 0 : i32
        %dma_wait3A_214 = arith.constant 0 : i32
        %dma_wait3A_215 = tpu.memref_slice %arg13[%dma_wait3A_213, %dma_wait3A_214] : memref<10240x64xf32, #tpu.memory_space<vmem_shared>> -> memref<10240x64xf32, #tpu.memory_space<vmem_shared>>
        tpu.wait_indirect_dma semaphore(%run_scoped3A_203 : memref<!tpu.dma_semaphore, #tpu.memory_space<semaphore_mem>>) src(%arg9 : memref<128x64xf32, #tpu.memory_space<vmem>>) dst(%dma_wait3A_215 : memref<10240x64xf32, #tpu.memory_space<vmem_shared>>)
        tpu.yield
      }) : () -> ()
      %add3A_119 = arith.constant 4 : i32
      %add3A_120 = arith.addi %add3A_108, %add3A_119 : i32
      %dma_start3A_121 = arith.constant 0 : i32
      %dma_start3A_122 = tpu.memref_slice %arg7[%add3A_120, %dma_start3A_121] : memref<160x128xi32, #tpu.memory_space<vmem>> -> memref<1x128xi32, #tpu.memory_space<vmem>>
      %dma_start3A_123 = tpu.memref_squeeze %dma_start3A_122 : memref<1x128xi32, #tpu.memory_space<vmem>> -> memref<128xi32, #tpu.memory_space<vmem>>
      %dma_start3A_124 = arith.constant 0 : i32
      %dma_start3A_125 = arith.constant 0 : i32
      %dma_start3A_126 = tpu.memref_slice %arg2[%arg0, %dma_start3A_124, %dma_start3A_125] : memref<2x10240x64xf32, #tpu.memory_space<hbm>> -> memref<1x10240x64xf32, #tpu.memory_space<hbm>>
      %dma_start3A_127 = tpu.memref_squeeze %dma_start3A_126 : memref<1x10240x64xf32, #tpu.memory_space<hbm>> -> memref<10240x64xf32, #tpu.memory_space<hbm>>
      %dma_start3A_128 = arith.constant 0 : i32
      %dma_start3A_129 = arith.constant 0 : i32
      %dma_start3A_130 = tpu.memref_slice %dma_start3A_127[%dma_start3A_128, %dma_start3A_129] : memref<10240x64xf32, #tpu.memory_space<hbm>> -> memref<10240x64xf32, #tpu.memory_space<hbm>>
      tpu.enqueue_indirect_dma source(%dma_start3A_130 : memref<10240x64xf32, #tpu.memory_space<hbm>>) target(%arg9 : memref<128x64xf32, #tpu.memory_space<vmem>>) offsets(%dma_start3A_123 : memref<128xi32, #tpu.memory_space<vmem>>) semaphore(%arg14 : memref<!tpu.dma_semaphore, #tpu.memory_space<semaphore_mem>>)
      %add3A_131 = arith.constant 1 : i32
      %add3A_132 = arith.addi %mul3A_107, %add3A_131 : i32
      %dma_wait3A_133 = arith.constant 0 : i32
      %dma_wait3A_134 = tpu.memref_slice %arg7[%add3A_132, %dma_wait3A_133] : memref<160x128xi32, #tpu.memory_space<vmem>> -> memref<1x128xi32, #tpu.memory_space<vmem>>
      %dma_wait3A_135 = tpu.memref_squeeze %dma_wait3A_134 : memref<1x128xi32, #tpu.memory_space<vmem>> -> memref<128xi32, #tpu.memory_space<vmem>>
      %dma_wait3A_136 = arith.constant 0 : i32
      %dma_wait3A_137 = arith.constant 0 : i32
      %dma_wait3A_138 = tpu.memref_slice %arg2[%arg0, %dma_wait3A_136, %dma_wait3A_137] : memref<2x10240x64xf32, #tpu.memory_space<hbm>> -> memref<1x10240x64xf32, #tpu.memory_space<hbm>>
      %dma_wait3A_139 = tpu.memref_squeeze %dma_wait3A_138 : memref<1x10240x64xf32, #tpu.memory_space<hbm>> -> memref<10240x64xf32, #tpu.memory_space<hbm>>
      %dma_wait3A_140 = arith.constant 0 : i32
      %dma_wait3A_141 = arith.constant 0 : i32
      %dma_wait3A_142 = tpu.memref_slice %dma_wait3A_139[%dma_wait3A_140, %dma_wait3A_141] : memref<10240x64xf32, #tpu.memory_space<hbm>> -> memref<10240x64xf32, #tpu.memory_space<hbm>>
      tpu.wait_indirect_dma semaphore(%arg15 : memref<!tpu.dma_semaphore, #tpu.memory_space<semaphore_mem>>) src(%dma_wait3A_142 : memref<10240x64xf32, #tpu.memory_space<hbm>>) dst(%arg10 : memref<128x64xf32, #tpu.memory_space<vmem>>)
      "tpu.region"() ({
        %run_scoped3A_203 = tpu.sem_alloc : memref<!tpu.dma_semaphore, #tpu.memory_space<semaphore_mem>>
        %dma_start3A_204 = arith.constant 0 : i32
        %dma_start3A_205 = tpu.memref_slice %arg8[%add3A_132, %dma_start3A_204] : memref<160x128xi32, #tpu.memory_space<vmem>> -> memref<1x128xi32, #tpu.memory_space<vmem>>
        %dma_start3A_206 = tpu.memref_squeeze %dma_start3A_205 : memref<1x128xi32, #tpu.memory_space<vmem>> -> memref<128xi32, #tpu.memory_space<vmem>>
        %dma_start3A_207 = arith.constant 0 : i32
        %dma_start3A_208 = arith.constant 0 : i32
        %dma_start3A_209 = tpu.memref_slice %arg13[%dma_start3A_207, %dma_start3A_208] : memref<10240x64xf32, #tpu.memory_space<vmem_shared>> -> memref<10240x64xf32, #tpu.memory_space<vmem_shared>>
        tpu.enqueue_indirect_dma source(%arg10 : memref<128x64xf32, #tpu.memory_space<vmem>>) target(%dma_start3A_209 : memref<10240x64xf32, #tpu.memory_space<vmem_shared>>) offsets(%dma_start3A_206 : memref<128xi32, #tpu.memory_space<vmem>>) semaphore(%run_scoped3A_203 : memref<!tpu.dma_semaphore, #tpu.memory_space<semaphore_mem>>) {add = true}
        %dma_wait3A_210 = arith.constant 0 : i32
        %dma_wait3A_211 = tpu.memref_slice %arg8[%add3A_132, %dma_wait3A_210] : memref<160x128xi32, #tpu.memory_space<vmem>> -> memref<1x128xi32, #tpu.memory_space<vmem>>
        %dma_wait3A_212 = tpu.memref_squeeze %dma_wait3A_211 : memref<1x128xi32, #tpu.memory_space<vmem>> -> memref<128xi32, #tpu.memory_space<vmem>>
        %dma_wait3A_213 = arith.constant 0 : i32
        %dma_wait3A_214 = arith.constant 0 : i32
        %dma_wait3A_215 = tpu.memref_slice %arg13[%dma_wait3A_213, %dma_wait3A_214] : memref<10240x64xf32, #tpu.memory_space<vmem_shared>> -> memref<10240x64xf32, #tpu.memory_space<vmem_shared>>
        tpu.wait_indirect_dma semaphore(%run_scoped3A_203 : memref<!tpu.dma_semaphore, #tpu.memory_space<semaphore_mem>>) src(%arg10 : memref<128x64xf32, #tpu.memory_space<vmem>>) dst(%dma_wait3A_215 : memref<10240x64xf32, #tpu.memory_space<vmem_shared>>)
        tpu.yield
      }) : () -> ()
      %add3A_143 = arith.constant 4 : i32
      %add3A_144 = arith.addi %add3A_132, %add3A_143 : i32
      %dma_start3A_145 = arith.constant 0 : i32
      %dma_start3A_146 = tpu.memref_slice %arg7[%add3A_144, %dma_start3A_145] : memref<160x128xi32, #tpu.memory_space<vmem>> -> memref<1x128xi32, #tpu.memory_space<vmem>>
      %dma_start3A_147 = tpu.memref_squeeze %dma_start3A_146 : memref<1x128xi32, #tpu.memory_space<vmem>> -> memref<128xi32, #tpu.memory_space<vmem>>
      %dma_start3A_148 = arith.constant 0 : i32
      %dma_start3A_149 = arith.constant 0 : i32
      %dma_start3A_150 = tpu.memref_slice %arg2[%arg0, %dma_start3A_148, %dma_start3A_149] : memref<2x10240x64xf32, #tpu.memory_space<hbm>> -> memref<1x10240x64xf32, #tpu.memory_space<hbm>>
      %dma_start3A_151 = tpu.memref_squeeze %dma_start3A_150 : memref<1x10240x64xf32, #tpu.memory_space<hbm>> -> memref<10240x64xf32, #tpu.memory_space<hbm>>
      %dma_start3A_152 = arith.constant 0 : i32
      %dma_start3A_153 = arith.constant 0 : i32
      %dma_start3A_154 = tpu.memref_slice %dma_start3A_151[%dma_start3A_152, %dma_start3A_153] : memref<10240x64xf32, #tpu.memory_space<hbm>> -> memref<10240x64xf32, #tpu.memory_space<hbm>>
      tpu.enqueue_indirect_dma source(%dma_start3A_154 : memref<10240x64xf32, #tpu.memory_space<hbm>>) target(%arg10 : memref<128x64xf32, #tpu.memory_space<vmem>>) offsets(%dma_start3A_147 : memref<128xi32, #tpu.memory_space<vmem>>) semaphore(%arg15 : memref<!tpu.dma_semaphore, #tpu.memory_space<semaphore_mem>>)
      %add3A_155 = arith.constant 2 : i32
      %add3A_156 = arith.addi %mul3A_107, %add3A_155 : i32
      %dma_wait3A_157 = arith.constant 0 : i32
      %dma_wait3A_158 = tpu.memref_slice %arg7[%add3A_156, %dma_wait3A_157] : memref<160x128xi32, #tpu.memory_space<vmem>> -> memref<1x128xi32, #tpu.memory_space<vmem>>
      %dma_wait3A_159 = tpu.memref_squeeze %dma_wait3A_158 : memref<1x128xi32, #tpu.memory_space<vmem>> -> memref<128xi32, #tpu.memory_space<vmem>>
      %dma_wait3A_160 = arith.constant 0 : i32
      %dma_wait3A_161 = arith.constant 0 : i32
      %dma_wait3A_162 = tpu.memref_slice %arg2[%arg0, %dma_wait3A_160, %dma_wait3A_161] : memref<2x10240x64xf32, #tpu.memory_space<hbm>> -> memref<1x10240x64xf32, #tpu.memory_space<hbm>>
      %dma_wait3A_163 = tpu.memref_squeeze %dma_wait3A_162 : memref<1x10240x64xf32, #tpu.memory_space<hbm>> -> memref<10240x64xf32, #tpu.memory_space<hbm>>
      %dma_wait3A_164 = arith.constant 0 : i32
      %dma_wait3A_165 = arith.constant 0 : i32
      %dma_wait3A_166 = tpu.memref_slice %dma_wait3A_163[%dma_wait3A_164, %dma_wait3A_165] : memref<10240x64xf32, #tpu.memory_space<hbm>> -> memref<10240x64xf32, #tpu.memory_space<hbm>>
      tpu.wait_indirect_dma semaphore(%arg16 : memref<!tpu.dma_semaphore, #tpu.memory_space<semaphore_mem>>) src(%dma_wait3A_166 : memref<10240x64xf32, #tpu.memory_space<hbm>>) dst(%arg11 : memref<128x64xf32, #tpu.memory_space<vmem>>)
      "tpu.region"() ({
        %run_scoped3A_203 = tpu.sem_alloc : memref<!tpu.dma_semaphore, #tpu.memory_space<semaphore_mem>>
        %dma_start3A_204 = arith.constant 0 : i32
        %dma_start3A_205 = tpu.memref_slice %arg8[%add3A_156, %dma_start3A_204] : memref<160x128xi32, #tpu.memory_space<vmem>> -> memref<1x128xi32, #tpu.memory_space<vmem>>
        %dma_start3A_206 = tpu.memref_squeeze %dma_start3A_205 : memref<1x128xi32, #tpu.memory_space<vmem>> -> memref<128xi32, #tpu.memory_space<vmem>>
        %dma_start3A_207 = arith.constant 0 : i32
        %dma_start3A_208 = arith.constant 0 : i32
        %dma_start3A_209 = tpu.memref_slice %arg13[%dma_start3A_207, %dma_start3A_208] : memref<10240x64xf32, #tpu.memory_space<vmem_shared>> -> memref<10240x64xf32, #tpu.memory_space<vmem_shared>>
        tpu.enqueue_indirect_dma source(%arg11 : memref<128x64xf32, #tpu.memory_space<vmem>>) target(%dma_start3A_209 : memref<10240x64xf32, #tpu.memory_space<vmem_shared>>) offsets(%dma_start3A_206 : memref<128xi32, #tpu.memory_space<vmem>>) semaphore(%run_scoped3A_203 : memref<!tpu.dma_semaphore, #tpu.memory_space<semaphore_mem>>) {add = true}
        %dma_wait3A_210 = arith.constant 0 : i32
        %dma_wait3A_211 = tpu.memref_slice %arg8[%add3A_156, %dma_wait3A_210] : memref<160x128xi32, #tpu.memory_space<vmem>> -> memref<1x128xi32, #tpu.memory_space<vmem>>
        %dma_wait3A_212 = tpu.memref_squeeze %dma_wait3A_211 : memref<1x128xi32, #tpu.memory_space<vmem>> -> memref<128xi32, #tpu.memory_space<vmem>>
        %dma_wait3A_213 = arith.constant 0 : i32
        %dma_wait3A_214 = arith.constant 0 : i32
        %dma_wait3A_215 = tpu.memref_slice %arg13[%dma_wait3A_213, %dma_wait3A_214] : memref<10240x64xf32, #tpu.memory_space<vmem_shared>> -> memref<10240x64xf32, #tpu.memory_space<vmem_shared>>
        tpu.wait_indirect_dma semaphore(%run_scoped3A_203 : memref<!tpu.dma_semaphore, #tpu.memory_space<semaphore_mem>>) src(%arg11 : memref<128x64xf32, #tpu.memory_space<vmem>>) dst(%dma_wait3A_215 : memref<10240x64xf32, #tpu.memory_space<vmem_shared>>)
        tpu.yield
      }) : () -> ()
      %add3A_167 = arith.constant 4 : i32
      %add3A_168 = arith.addi %add3A_156, %add3A_167 : i32
      %dma_start3A_169 = arith.constant 0 : i32
      %dma_start3A_170 = tpu.memref_slice %arg7[%add3A_168, %dma_start3A_169] : memref<160x128xi32, #tpu.memory_space<vmem>> -> memref<1x128xi32, #tpu.memory_space<vmem>>
      %dma_start3A_171 = tpu.memref_squeeze %dma_start3A_170 : memref<1x128xi32, #tpu.memory_space<vmem>> -> memref<128xi32, #tpu.memory_space<vmem>>
      %dma_start3A_172 = arith.constant 0 : i32
      %dma_start3A_173 = arith.constant 0 : i32
      %dma_start3A_174 = tpu.memref_slice %arg2[%arg0, %dma_start3A_172, %dma_start3A_173] : memref<2x10240x64xf32, #tpu.memory_space<hbm>> -> memref<1x10240x64xf32, #tpu.memory_space<hbm>>
      %dma_start3A_175 = tpu.memref_squeeze %dma_start3A_174 : memref<1x10240x64xf32, #tpu.memory_space<hbm>> -> memref<10240x64xf32, #tpu.memory_space<hbm>>
      %dma_start3A_176 = arith.constant 0 : i32
      %dma_start3A_177 = arith.constant 0 : i32
      %dma_start3A_178 = tpu.memref_slice %dma_start3A_175[%dma_start3A_176, %dma_start3A_177] : memref<10240x64xf32, #tpu.memory_space<hbm>> -> memref<10240x64xf32, #tpu.memory_space<hbm>>
      tpu.enqueue_indirect_dma source(%dma_start3A_178 : memref<10240x64xf32, #tpu.memory_space<hbm>>) target(%arg11 : memref<128x64xf32, #tpu.memory_space<vmem>>) offsets(%dma_start3A_171 : memref<128xi32, #tpu.memory_space<vmem>>) semaphore(%arg16 : memref<!tpu.dma_semaphore, #tpu.memory_space<semaphore_mem>>)
      %add3A_179 = arith.constant 3 : i32
      %add3A_180 = arith.addi %mul3A_107, %add3A_179 : i32
      %dma_wait3A_181 = arith.constant 0 : i32
      %dma_wait3A_182 = tpu.memref_slice %arg7[%add3A_180, %dma_wait3A_181] : memref<160x128xi32, #tpu.memory_space<vmem>> -> memref<1x128xi32, #tpu.memory_space<vmem>>
      %dma_wait3A_183 = tpu.memref_squeeze %dma_wait3A_182 : memref<1x128xi32, #tpu.memory_space<vmem>> -> memref<128xi32, #tpu.memory_space<vmem>>
      %dma_wait3A_184 = arith.constant 0 : i32
      %dma_wait3A_185 = arith.constant 0 : i32
      %dma_wait3A_186 = tpu.memref_slice %arg2[%arg0, %dma_wait3A_184, %dma_wait3A_185] : memref<2x10240x64xf32, #tpu.memory_space<hbm>> -> memref<1x10240x64xf32, #tpu.memory_space<hbm>>
      %dma_wait3A_187 = tpu.memref_squeeze %dma_wait3A_186 : memref<1x10240x64xf32, #tpu.memory_space<hbm>> -> memref<10240x64xf32, #tpu.memory_space<hbm>>
      %dma_wait3A_188 = arith.constant 0 : i32
      %dma_wait3A_189 = arith.constant 0 : i32
      %dma_wait3A_190 = tpu.memref_slice %dma_wait3A_187[%dma_wait3A_188, %dma_wait3A_189] : memref<10240x64xf32, #tpu.memory_space<hbm>> -> memref<10240x64xf32, #tpu.memory_space<hbm>>
      tpu.wait_indirect_dma semaphore(%arg17 : memref<!tpu.dma_semaphore, #tpu.memory_space<semaphore_mem>>) src(%dma_wait3A_190 : memref<10240x64xf32, #tpu.memory_space<hbm>>) dst(%arg12 : memref<128x64xf32, #tpu.memory_space<vmem>>)
      "tpu.region"() ({
        %run_scoped3A_203 = tpu.sem_alloc : memref<!tpu.dma_semaphore, #tpu.memory_space<semaphore_mem>>
        %dma_start3A_204 = arith.constant 0 : i32
        %dma_start3A_205 = tpu.memref_slice %arg8[%add3A_180, %dma_start3A_204] : memref<160x128xi32, #tpu.memory_space<vmem>> -> memref<1x128xi32, #tpu.memory_space<vmem>>
        %dma_start3A_206 = tpu.memref_squeeze %dma_start3A_205 : memref<1x128xi32, #tpu.memory_space<vmem>> -> memref<128xi32, #tpu.memory_space<vmem>>
        %dma_start3A_207 = arith.constant 0 : i32
        %dma_start3A_208 = arith.constant 0 : i32
        %dma_start3A_209 = tpu.memref_slice %arg13[%dma_start3A_207, %dma_start3A_208] : memref<10240x64xf32, #tpu.memory_space<vmem_shared>> -> memref<10240x64xf32, #tpu.memory_space<vmem_shared>>
        tpu.enqueue_indirect_dma source(%arg12 : memref<128x64xf32, #tpu.memory_space<vmem>>) target(%dma_start3A_209 : memref<10240x64xf32, #tpu.memory_space<vmem_shared>>) offsets(%dma_start3A_206 : memref<128xi32, #tpu.memory_space<vmem>>) semaphore(%run_scoped3A_203 : memref<!tpu.dma_semaphore, #tpu.memory_space<semaphore_mem>>) {add = true}
        %dma_wait3A_210 = arith.constant 0 : i32
        %dma_wait3A_211 = tpu.memref_slice %arg8[%add3A_180, %dma_wait3A_210] : memref<160x128xi32, #tpu.memory_space<vmem>> -> memref<1x128xi32, #tpu.memory_space<vmem>>
        %dma_wait3A_212 = tpu.memref_squeeze %dma_wait3A_211 : memref<1x128xi32, #tpu.memory_space<vmem>> -> memref<128xi32, #tpu.memory_space<vmem>>
        %dma_wait3A_213 = arith.constant 0 : i32
        %dma_wait3A_214 = arith.constant 0 : i32
        %dma_wait3A_215 = tpu.memref_slice %arg13[%dma_wait3A_213, %dma_wait3A_214] : memref<10240x64xf32, #tpu.memory_space<vmem_shared>> -> memref<10240x64xf32, #tpu.memory_space<vmem_shared>>
        tpu.wait_indirect_dma semaphore(%run_scoped3A_203 : memref<!tpu.dma_semaphore, #tpu.memory_space<semaphore_mem>>) src(%arg12 : memref<128x64xf32, #tpu.memory_space<vmem>>) dst(%dma_wait3A_215 : memref<10240x64xf32, #tpu.memory_space<vmem_shared>>)
        tpu.yield
      }) : () -> ()
      %add3A_191 = arith.constant 4 : i32
      %add3A_192 = arith.addi %add3A_180, %add3A_191 : i32
      %dma_start3A_193 = arith.constant 0 : i32
      %dma_start3A_194 = tpu.memref_slice %arg7[%add3A_192, %dma_start3A_193] : memref<160x128xi32, #tpu.memory_space<vmem>> -> memref<1x128xi32, #tpu.memory_space<vmem>>
      %dma_start3A_195 = tpu.memref_squeeze %dma_start3A_194 : memref<1x128xi32, #tpu.memory_space<vmem>> -> memref<128xi32, #tpu.memory_space<vmem>>
      %dma_start3A_196 = arith.constant 0 : i32
      %dma_start3A_197 = arith.constant 0 : i32
      %dma_start3A_198 = tpu.memref_slice %arg2[%arg0, %dma_start3A_196, %dma_start3A_197] : memref<2x10240x64xf32, #tpu.memory_space<hbm>> -> memref<1x10240x64xf32, #tpu.memory_space<hbm>>
      %dma_start3A_199 = tpu.memref_squeeze %dma_start3A_198 : memref<1x10240x64xf32, #tpu.memory_space<hbm>> -> memref<10240x64xf32, #tpu.memory_space<hbm>>
      %dma_start3A_200 = arith.constant 0 : i32
      %dma_start3A_201 = arith.constant 0 : i32
      %dma_start3A_202 = tpu.memref_slice %dma_start3A_199[%dma_start3A_200, %dma_start3A_201] : memref<10240x64xf32, #tpu.memory_space<hbm>> -> memref<10240x64xf32, #tpu.memory_space<hbm>>
      tpu.enqueue_indirect_dma source(%dma_start3A_202 : memref<10240x64xf32, #tpu.memory_space<hbm>>) target(%arg12 : memref<128x64xf32, #tpu.memory_space<vmem>>) offsets(%dma_start3A_195 : memref<128xi32, #tpu.memory_space<vmem>>) semaphore(%arg17 : memref<!tpu.dma_semaphore, #tpu.memory_space<semaphore_mem>>)
    }
    %scan3A_52 = arith.constant 39 : i32
    %dma_wait3A = arith.constant 156 : i32
    %dma_wait3A_53 = arith.constant 0 : i32
    %dma_wait3A_54 = tpu.memref_slice %arg7[%dma_wait3A, %dma_wait3A_53] : memref<160x128xi32, #tpu.memory_space<vmem>> -> memref<1x128xi32, #tpu.memory_space<vmem>>
    %dma_wait3A_55 = tpu.memref_squeeze %dma_wait3A_54 : memref<1x128xi32, #tpu.memory_space<vmem>> -> memref<128xi32, #tpu.memory_space<vmem>>
    %dma_wait3A_56 = arith.constant 0 : i32
    %dma_wait3A_57 = arith.constant 0 : i32
    %dma_wait3A_58 = tpu.memref_slice %arg2[%arg0, %dma_wait3A_56, %dma_wait3A_57] : memref<2x10240x64xf32, #tpu.memory_space<hbm>> -> memref<1x10240x64xf32, #tpu.memory_space<hbm>>
    %dma_wait3A_59 = tpu.memref_squeeze %dma_wait3A_58 : memref<1x10240x64xf32, #tpu.memory_space<hbm>> -> memref<10240x64xf32, #tpu.memory_space<hbm>>
    %dma_wait3A_60 = arith.constant 0 : i32
    %dma_wait3A_61 = arith.constant 0 : i32
    %dma_wait3A_62 = tpu.memref_slice %dma_wait3A_59[%dma_wait3A_60, %dma_wait3A_61] : memref<10240x64xf32, #tpu.memory_space<hbm>> -> memref<10240x64xf32, #tpu.memory_space<hbm>>
    tpu.wait_indirect_dma semaphore(%arg14 : memref<!tpu.dma_semaphore, #tpu.memory_space<semaphore_mem>>) src(%dma_wait3A_62 : memref<10240x64xf32, #tpu.memory_space<hbm>>) dst(%arg9 : memref<128x64xf32, #tpu.memory_space<vmem>>)
    %run_scoped3A = arith.constant 156 : i32
    "tpu.region"() ({
      %run_scoped3A_105 = tpu.sem_alloc : memref<!tpu.dma_semaphore, #tpu.memory_space<semaphore_mem>>
      %dma_start3A_106 = arith.constant 0 : i32
      %dma_start3A_107 = tpu.memref_slice %arg8[%run_scoped3A, %dma_start3A_106] : memref<160x128xi32, #tpu.memory_space<vmem>> -> memref<1x128xi32, #tpu.memory_space<vmem>>
      %dma_start3A_108 = tpu.memref_squeeze %dma_start3A_107 : memref<1x128xi32, #tpu.memory_space<vmem>> -> memref<128xi32, #tpu.memory_space<vmem>>
      %dma_start3A_109 = arith.constant 0 : i32
      %dma_start3A_110 = arith.constant 0 : i32
      %dma_start3A_111 = tpu.memref_slice %arg13[%dma_start3A_109, %dma_start3A_110] : memref<10240x64xf32, #tpu.memory_space<vmem_shared>> -> memref<10240x64xf32, #tpu.memory_space<vmem_shared>>
      tpu.enqueue_indirect_dma source(%arg9 : memref<128x64xf32, #tpu.memory_space<vmem>>) target(%dma_start3A_111 : memref<10240x64xf32, #tpu.memory_space<vmem_shared>>) offsets(%dma_start3A_108 : memref<128xi32, #tpu.memory_space<vmem>>) semaphore(%run_scoped3A_105 : memref<!tpu.dma_semaphore, #tpu.memory_space<semaphore_mem>>) {add = true}
      %dma_wait3A_112 = arith.constant 0 : i32
      %dma_wait3A_113 = tpu.memref_slice %arg8[%run_scoped3A, %dma_wait3A_112] : memref<160x128xi32, #tpu.memory_space<vmem>> -> memref<1x128xi32, #tpu.memory_space<vmem>>
      %dma_wait3A_114 = tpu.memref_squeeze %dma_wait3A_113 : memref<1x128xi32, #tpu.memory_space<vmem>> -> memref<128xi32, #tpu.memory_space<vmem>>
      %dma_wait3A_115 = arith.constant 0 : i32
      %dma_wait3A_116 = arith.constant 0 : i32
      %dma_wait3A_117 = tpu.memref_slice %arg13[%dma_wait3A_115, %dma_wait3A_116] : memref<10240x64xf32, #tpu.memory_space<vmem_shared>> -> memref<10240x64xf32, #tpu.memory_space<vmem_shared>>
      tpu.wait_indirect_dma semaphore(%run_scoped3A_105 : memref<!tpu.dma_semaphore, #tpu.memory_space<semaphore_mem>>) src(%arg9 : memref<128x64xf32, #tpu.memory_space<vmem>>) dst(%dma_wait3A_117 : memref<10240x64xf32, #tpu.memory_space<vmem_shared>>)
      tpu.yield
    }) : () -> ()
    %dma_wait3A_63 = arith.constant 157 : i32
    %dma_wait3A_64 = arith.constant 0 : i32
    %dma_wait3A_65 = tpu.memref_slice %arg7[%dma_wait3A_63, %dma_wait3A_64] : memref<160x128xi32, #tpu.memory_space<vmem>> -> memref<1x128xi32, #tpu.memory_space<vmem>>
    %dma_wait3A_66 = tpu.memref_squeeze %dma_wait3A_65 : memref<1x128xi32, #tpu.memory_space<vmem>> -> memref<128xi32, #tpu.memory_space<vmem>>
    %dma_wait3A_67 = arith.constant 0 : i32
    %dma_wait3A_68 = arith.constant 0 : i32
    %dma_wait3A_69 = tpu.memref_slice %arg2[%arg0, %dma_wait3A_67, %dma_wait3A_68] : memref<2x10240x64xf32, #tpu.memory_space<hbm>> -> memref<1x10240x64xf32, #tpu.memory_space<hbm>>
    %dma_wait3A_70 = tpu.memref_squeeze %dma_wait3A_69 : memref<1x10240x64xf32, #tpu.memory_space<hbm>> -> memref<10240x64xf32, #tpu.memory_space<hbm>>
    %dma_wait3A_71 = arith.constant 0 : i32
    %dma_wait3A_72 = arith.constant 0 : i32
    %dma_wait3A_73 = tpu.memref_slice %dma_wait3A_70[%dma_wait3A_71, %dma_wait3A_72] : memref<10240x64xf32, #tpu.memory_space<hbm>> -> memref<10240x64xf32, #tpu.memory_space<hbm>>
    tpu.wait_indirect_dma semaphore(%arg15 : memref<!tpu.dma_semaphore, #tpu.memory_space<semaphore_mem>>) src(%dma_wait3A_73 : memref<10240x64xf32, #tpu.memory_space<hbm>>) dst(%arg10 : memref<128x64xf32, #tpu.memory_space<vmem>>)
    %run_scoped3A_74 = arith.constant 157 : i32
    "tpu.region"() ({
      %run_scoped3A_105 = tpu.sem_alloc : memref<!tpu.dma_semaphore, #tpu.memory_space<semaphore_mem>>
      %dma_start3A_106 = arith.constant 0 : i32
      %dma_start3A_107 = tpu.memref_slice %arg8[%run_scoped3A_74, %dma_start3A_106] : memref<160x128xi32, #tpu.memory_space<vmem>> -> memref<1x128xi32, #tpu.memory_space<vmem>>
      %dma_start3A_108 = tpu.memref_squeeze %dma_start3A_107 : memref<1x128xi32, #tpu.memory_space<vmem>> -> memref<128xi32, #tpu.memory_space<vmem>>
      %dma_start3A_109 = arith.constant 0 : i32
      %dma_start3A_110 = arith.constant 0 : i32
      %dma_start3A_111 = tpu.memref_slice %arg13[%dma_start3A_109, %dma_start3A_110] : memref<10240x64xf32, #tpu.memory_space<vmem_shared>> -> memref<10240x64xf32, #tpu.memory_space<vmem_shared>>
      tpu.enqueue_indirect_dma source(%arg10 : memref<128x64xf32, #tpu.memory_space<vmem>>) target(%dma_start3A_111 : memref<10240x64xf32, #tpu.memory_space<vmem_shared>>) offsets(%dma_start3A_108 : memref<128xi32, #tpu.memory_space<vmem>>) semaphore(%run_scoped3A_105 : memref<!tpu.dma_semaphore, #tpu.memory_space<semaphore_mem>>) {add = true}
      %dma_wait3A_112 = arith.constant 0 : i32
      %dma_wait3A_113 = tpu.memref_slice %arg8[%run_scoped3A_74, %dma_wait3A_112] : memref<160x128xi32, #tpu.memory_space<vmem>> -> memref<1x128xi32, #tpu.memory_space<vmem>>
      %dma_wait3A_114 = tpu.memref_squeeze %dma_wait3A_113 : memref<1x128xi32, #tpu.memory_space<vmem>> -> memref<128xi32, #tpu.memory_space<vmem>>
      %dma_wait3A_115 = arith.constant 0 : i32
      %dma_wait3A_116 = arith.constant 0 : i32
      %dma_wait3A_117 = tpu.memref_slice %arg13[%dma_wait3A_115, %dma_wait3A_116] : memref<10240x64xf32, #tpu.memory_space<vmem_shared>> -> memref<10240x64xf32, #tpu.memory_space<vmem_shared>>
      tpu.wait_indirect_dma semaphore(%run_scoped3A_105 : memref<!tpu.dma_semaphore, #tpu.memory_space<semaphore_mem>>) src(%arg10 : memref<128x64xf32, #tpu.memory_space<vmem>>) dst(%dma_wait3A_117 : memref<10240x64xf32, #tpu.memory_space<vmem_shared>>)
      tpu.yield
    }) : () -> ()
    %dma_wait3A_75 = arith.constant 158 : i32
    %dma_wait3A_76 = arith.constant 0 : i32
    %dma_wait3A_77 = tpu.memref_slice %arg7[%dma_wait3A_75, %dma_wait3A_76] : memref<160x128xi32, #tpu.memory_space<vmem>> -> memref<1x128xi32, #tpu.memory_space<vmem>>
    %dma_wait3A_78 = tpu.memref_squeeze %dma_wait3A_77 : memref<1x128xi32, #tpu.memory_space<vmem>> -> memref<128xi32, #tpu.memory_space<vmem>>
    %dma_wait3A_79 = arith.constant 0 : i32
    %dma_wait3A_80 = arith.constant 0 : i32
    %dma_wait3A_81 = tpu.memref_slice %arg2[%arg0, %dma_wait3A_79, %dma_wait3A_80] : memref<2x10240x64xf32, #tpu.memory_space<hbm>> -> memref<1x10240x64xf32, #tpu.memory_space<hbm>>
    %dma_wait3A_82 = tpu.memref_squeeze %dma_wait3A_81 : memref<1x10240x64xf32, #tpu.memory_space<hbm>> -> memref<10240x64xf32, #tpu.memory_space<hbm>>
    %dma_wait3A_83 = arith.constant 0 : i32
    %dma_wait3A_84 = arith.constant 0 : i32
    %dma_wait3A_85 = tpu.memref_slice %dma_wait3A_82[%dma_wait3A_83, %dma_wait3A_84] : memref<10240x64xf32, #tpu.memory_space<hbm>> -> memref<10240x64xf32, #tpu.memory_space<hbm>>
    tpu.wait_indirect_dma semaphore(%arg16 : memref<!tpu.dma_semaphore, #tpu.memory_space<semaphore_mem>>) src(%dma_wait3A_85 : memref<10240x64xf32, #tpu.memory_space<hbm>>) dst(%arg11 : memref<128x64xf32, #tpu.memory_space<vmem>>)
    %run_scoped3A_86 = arith.constant 158 : i32
    "tpu.region"() ({
      %run_scoped3A_105 = tpu.sem_alloc : memref<!tpu.dma_semaphore, #tpu.memory_space<semaphore_mem>>
      %dma_start3A_106 = arith.constant 0 : i32
      %dma_start3A_107 = tpu.memref_slice %arg8[%run_scoped3A_86, %dma_start3A_106] : memref<160x128xi32, #tpu.memory_space<vmem>> -> memref<1x128xi32, #tpu.memory_space<vmem>>
      %dma_start3A_108 = tpu.memref_squeeze %dma_start3A_107 : memref<1x128xi32, #tpu.memory_space<vmem>> -> memref<128xi32, #tpu.memory_space<vmem>>
      %dma_start3A_109 = arith.constant 0 : i32
      %dma_start3A_110 = arith.constant 0 : i32
      %dma_start3A_111 = tpu.memref_slice %arg13[%dma_start3A_109, %dma_start3A_110] : memref<10240x64xf32, #tpu.memory_space<vmem_shared>> -> memref<10240x64xf32, #tpu.memory_space<vmem_shared>>
      tpu.enqueue_indirect_dma source(%arg11 : memref<128x64xf32, #tpu.memory_space<vmem>>) target(%dma_start3A_111 : memref<10240x64xf32, #tpu.memory_space<vmem_shared>>) offsets(%dma_start3A_108 : memref<128xi32, #tpu.memory_space<vmem>>) semaphore(%run_scoped3A_105 : memref<!tpu.dma_semaphore, #tpu.memory_space<semaphore_mem>>) {add = true}
      %dma_wait3A_112 = arith.constant 0 : i32
      %dma_wait3A_113 = tpu.memref_slice %arg8[%run_scoped3A_86, %dma_wait3A_112] : memref<160x128xi32, #tpu.memory_space<vmem>> -> memref<1x128xi32, #tpu.memory_space<vmem>>
      %dma_wait3A_114 = tpu.memref_squeeze %dma_wait3A_113 : memref<1x128xi32, #tpu.memory_space<vmem>> -> memref<128xi32, #tpu.memory_space<vmem>>
      %dma_wait3A_115 = arith.constant 0 : i32
      %dma_wait3A_116 = arith.constant 0 : i32
      %dma_wait3A_117 = tpu.memref_slice %arg13[%dma_wait3A_115, %dma_wait3A_116] : memref<10240x64xf32, #tpu.memory_space<vmem_shared>> -> memref<10240x64xf32, #tpu.memory_space<vmem_shared>>
      tpu.wait_indirect_dma semaphore(%run_scoped3A_105 : memref<!tpu.dma_semaphore, #tpu.memory_space<semaphore_mem>>) src(%arg11 : memref<128x64xf32, #tpu.memory_space<vmem>>) dst(%dma_wait3A_117 : memref<10240x64xf32, #tpu.memory_space<vmem_shared>>)
      tpu.yield
    }) : () -> ()
    %dma_wait3A_87 = arith.constant 159 : i32
    %dma_wait3A_88 = arith.constant 0 : i32
    %dma_wait3A_89 = tpu.memref_slice %arg7[%dma_wait3A_87, %dma_wait3A_88] : memref<160x128xi32, #tpu.memory_space<vmem>> -> memref<1x128xi32, #tpu.memory_space<vmem>>
    %dma_wait3A_90 = tpu.memref_squeeze %dma_wait3A_89 : memref<1x128xi32, #tpu.memory_space<vmem>> -> memref<128xi32, #tpu.memory_space<vmem>>
    %dma_wait3A_91 = arith.constant 0 : i32
    %dma_wait3A_92 = arith.constant 0 : i32
    %dma_wait3A_93 = tpu.memref_slice %arg2[%arg0, %dma_wait3A_91, %dma_wait3A_92] : memref<2x10240x64xf32, #tpu.memory_space<hbm>> -> memref<1x10240x64xf32, #tpu.memory_space<hbm>>
    %dma_wait3A_94 = tpu.memref_squeeze %dma_wait3A_93 : memref<1x10240x64xf32, #tpu.memory_space<hbm>> -> memref<10240x64xf32, #tpu.memory_space<hbm>>
    %dma_wait3A_95 = arith.constant 0 : i32
    %dma_wait3A_96 = arith.constant 0 : i32
    %dma_wait3A_97 = tpu.memref_slice %dma_wait3A_94[%dma_wait3A_95, %dma_wait3A_96] : memref<10240x64xf32, #tpu.memory_space<hbm>> -> memref<10240x64xf32, #tpu.memory_space<hbm>>
    tpu.wait_indirect_dma semaphore(%arg17 : memref<!tpu.dma_semaphore, #tpu.memory_space<semaphore_mem>>) src(%dma_wait3A_97 : memref<10240x64xf32, #tpu.memory_space<hbm>>) dst(%arg12 : memref<128x64xf32, #tpu.memory_space<vmem>>)
    %run_scoped3A_98 = arith.constant 159 : i32
    "tpu.region"() ({
      %run_scoped3A_105 = tpu.sem_alloc : memref<!tpu.dma_semaphore, #tpu.memory_space<semaphore_mem>>
      %dma_start3A_106 = arith.constant 0 : i32
      %dma_start3A_107 = tpu.memref_slice %arg8[%run_scoped3A_98, %dma_start3A_106] : memref<160x128xi32, #tpu.memory_space<vmem>> -> memref<1x128xi32, #tpu.memory_space<vmem>>
      %dma_start3A_108 = tpu.memref_squeeze %dma_start3A_107 : memref<1x128xi32, #tpu.memory_space<vmem>> -> memref<128xi32, #tpu.memory_space<vmem>>
      %dma_start3A_109 = arith.constant 0 : i32
      %dma_start3A_110 = arith.constant 0 : i32
      %dma_start3A_111 = tpu.memref_slice %arg13[%dma_start3A_109, %dma_start3A_110] : memref<10240x64xf32, #tpu.memory_space<vmem_shared>> -> memref<10240x64xf32, #tpu.memory_space<vmem_shared>>
      tpu.enqueue_indirect_dma source(%arg12 : memref<128x64xf32, #tpu.memory_space<vmem>>) target(%dma_start3A_111 : memref<10240x64xf32, #tpu.memory_space<vmem_shared>>) offsets(%dma_start3A_108 : memref<128xi32, #tpu.memory_space<vmem>>) semaphore(%run_scoped3A_105 : memref<!tpu.dma_semaphore, #tpu.memory_space<semaphore_mem>>) {add = true}
      %dma_wait3A_112 = arith.constant 0 : i32
      %dma_wait3A_113 = tpu.memref_slice %arg8[%run_scoped3A_98, %dma_wait3A_112] : memref<160x128xi32, #tpu.memory_space<vmem>> -> memref<1x128xi32, #tpu.memory_space<vmem>>
      %dma_wait3A_114 = tpu.memref_squeeze %dma_wait3A_113 : memref<1x128xi32, #tpu.memory_space<vmem>> -> memref<128xi32, #tpu.memory_space<vmem>>
      %dma_wait3A_115 = arith.constant 0 : i32
      %dma_wait3A_116 = arith.constant 0 : i32
      %dma_wait3A_117 = tpu.memref_slice %arg13[%dma_wait3A_115, %dma_wait3A_116] : memref<10240x64xf32, #tpu.memory_space<vmem_shared>> -> memref<10240x64xf32, #tpu.memory_space<vmem_shared>>
      tpu.wait_indirect_dma semaphore(%run_scoped3A_105 : memref<!tpu.dma_semaphore, #tpu.memory_space<semaphore_mem>>) src(%arg12 : memref<128x64xf32, #tpu.memory_space<vmem>>) dst(%dma_wait3A_117 : memref<10240x64xf32, #tpu.memory_space<vmem_shared>>)
      tpu.yield
    }) : () -> ()
    %barrier3A_99 = arith.constant 0 : index
    tpu.barrier barrier_id(%barrier3A_99)
    %barrier3A_100 = arith.constant 0 : index
    tpu.barrier barrier_id(%barrier3A_100)
    %mul3A_101 = arith.constant 640 : i32
    %mul3A_102 = arith.muli %arg1, %mul3A_101 : i32
    %mul3A_103 = arith.constant 640 : i32
    %mul3A_104 = arith.muli %arg1, %mul3A_103 : i32
    "tpu.region"() ({
      %run_scoped3A_105 = tpu.sem_alloc : memref<!tpu.dma_semaphore, #tpu.memory_space<semaphore_mem>>
      %dma_start3A_106 = arith.constant 0 : i32
      %dma_start3A_107 = tpu.memref_slice %arg6[%arg0, %mul3A_104, %dma_start3A_106] : memref<2x10240x64xf32, #tpu.memory_space<hbm>> -> memref<1x640x64xf32, #tpu.memory_space<hbm>>
      %dma_start3A_108 = tpu.memref_squeeze %dma_start3A_107 : memref<1x640x64xf32, #tpu.memory_space<hbm>> -> memref<640x64xf32, #tpu.memory_space<hbm>>
      %dma_start3A_109 = arith.constant 0 : i32
      %dma_start3A_110 = tpu.memref_slice %arg13[%mul3A_102, %dma_start3A_109] : memref<10240x64xf32, #tpu.memory_space<vmem_shared>> -> memref<640x64xf32, #tpu.memory_space<vmem_shared>>
      tpu.enqueue_dma source(%dma_start3A_110 : memref<640x64xf32, #tpu.memory_space<vmem_shared>>) target(%dma_start3A_108 : memref<640x64xf32, #tpu.memory_space<hbm>>) target_semaphore(%run_scoped3A_105 : memref<!tpu.dma_semaphore, #tpu.memory_space<semaphore_mem>>)
      %dma_wait3A_111 = arith.constant 0 : i32
      %dma_wait3A_112 = tpu.memref_slice %arg6[%arg0, %mul3A_104, %dma_wait3A_111] : memref<2x10240x64xf32, #tpu.memory_space<hbm>> -> memref<1x640x64xf32, #tpu.memory_space<hbm>>
      %dma_wait3A_113 = tpu.memref_squeeze %dma_wait3A_112 : memref<1x640x64xf32, #tpu.memory_space<hbm>> -> memref<640x64xf32, #tpu.memory_space<hbm>>
      %dma_wait3A_114 = arith.constant 0 : i32
      %dma_wait3A_115 = tpu.memref_slice %arg13[%mul3A_102, %dma_wait3A_114] : memref<10240x64xf32, #tpu.memory_space<vmem_shared>> -> memref<640x64xf32, #tpu.memory_space<vmem_shared>>
      tpu.wait_dma2 semaphore(%run_scoped3A_105 : memref<!tpu.dma_semaphore, #tpu.memory_space<semaphore_mem>>) src(%dma_wait3A_115 : memref<640x64xf32, #tpu.memory_space<vmem_shared>>) dst(%dma_wait3A_113 : memref<640x64xf32, #tpu.memory_space<hbm>>)
      tpu.yield
    }) : () -> ()
    return
  }
}

#map = affine_map<(d0, d1) -> (0, 0, 0)>
#map1 = affine_map<(d0, d1) -> (0, 0)>
module attributes {stable_mosaic.version = 14 : i64} {
  func.func @edge_kernel(%arg0: i32, %arg1: i32, %arg2: memref<2x10240x64xf32, #tpu.memory_space<hbm>>, %arg3: memref<2560x128xi32, #tpu.memory_space<hbm>>, %arg4: memref<2560x128xi32, #tpu.memory_space<hbm>>, %arg5: memref<640x64xf32, #tpu.memory_space<hbm>>, %arg6: memref<2x10240x64xf32, #tpu.memory_space<hbm>>, %arg7: memref<160x128xi32, #tpu.memory_space<vmem>>, %arg8: memref<160x128xi32, #tpu.memory_space<vmem>>, %arg9: memref<128x64xf32, #tpu.memory_space<vmem>>, %arg10: memref<128x64xf32, #tpu.memory_space<vmem>>, %arg11: memref<128x64xf32, #tpu.memory_space<vmem>>, %arg12: memref<128x64xf32, #tpu.memory_space<vmem>>, %arg13: memref<10240x64xf32, #tpu.memory_space<vmem_shared>>, %arg14: memref<!tpu.dma_semaphore, #tpu.memory_space<semaphore_mem>>, %arg15: memref<!tpu.dma_semaphore, #tpu.memory_space<semaphore_mem>>, %arg16: memref<!tpu.dma_semaphore, #tpu.memory_space<semaphore_mem>>, %arg17: memref<!tpu.dma_semaphore, #tpu.memory_space<semaphore_mem>>) attributes {dimension_semantics = [#tpu.dimension_semantics<core_parallel>, #tpu.dimension_semantics<subcore_parallel>], iteration_bounds = array<i64: 2, 16>, scalar_prefetch = 0 : i64, scratch_operands = 11 : i64, tpu.core_type = #tpu.core_type<sc_vector_subcore>, window_params = [{transform_indices = #map}, {transform_indices = #map1}, {transform_indices = #map1}, {transform_indices = #map1}, {transform_indices = #map}]} {
    %mul3A = arith.constant 640 : i32
    %mul3A_0 = arith.muli %arg1, %mul3A : i32
    "tpu.region"() ({
      %run_scoped3A_105 = tpu.sem_alloc : memref<!tpu.dma_semaphore, #tpu.memory_space<semaphore_mem>>
      %dma_start3A_106 = arith.constant 0 : i32
      %dma_start3A_107 = tpu.memref_slice %arg13[%mul3A_0, %dma_start3A_106] : memref<10240x64xf32, #tpu.memory_space<vmem_shared>> -> memref<640x64xf32, #tpu.memory_space<vmem_shared>>
      tpu.enqueue_dma source(%arg5 : memref<640x64xf32, #tpu.memory_space<hbm>>) target(%dma_start3A_107 : memref<640x64xf32, #tpu.memory_space<vmem_shared>>) target_semaphore(%run_scoped3A_105 : memref<!tpu.dma_semaphore, #tpu.memory_space<semaphore_mem>>)
      %dma_wait3A_108 = arith.constant 0 : i32
      %dma_wait3A_109 = tpu.memref_slice %arg13[%mul3A_0, %dma_wait3A_108] : memref<10240x64xf32, #tpu.memory_space<vmem_shared>> -> memref<640x64xf32, #tpu.memory_space<vmem_shared>>
      tpu.wait_dma2 semaphore(%run_scoped3A_105 : memref<!tpu.dma_semaphore, #tpu.memory_space<semaphore_mem>>) src(%arg5 : memref<640x64xf32, #tpu.memory_space<hbm>>) dst(%dma_wait3A_109 : memref<640x64xf32, #tpu.memory_space<vmem_shared>>)
      tpu.yield
    }) : () -> ()
    %mul3A_1 = arith.constant 160 : i32
    %mul3A_2 = arith.muli %arg1, %mul3A_1 : i32
    "tpu.region"() ({
      %run_scoped3A_105 = tpu.sem_alloc : memref<!tpu.dma_semaphore, #tpu.memory_space<semaphore_mem>>
      %dma_start3A_106 = arith.constant 0 : i32
      %dma_start3A_107 = tpu.memref_slice %arg3[%mul3A_2, %dma_start3A_106] : memref<2560x128xi32, #tpu.memory_space<hbm>> -> memref<160x128xi32, #tpu.memory_space<hbm>>
      %dma_start3A_108 = arith.constant 0 : i32
      %dma_start3A_109 = tpu.memref_slice %arg3[%mul3A_2, %dma_start3A_108] : memref<2560x128xi32, #tpu.memory_space<hbm>> -> memref<160x128xi32, #tpu.memory_space<hbm>>
      tpu.enqueue_dma source(%dma_start3A_109 : memref<160x128xi32, #tpu.memory_space<hbm>>) target(%arg7 : memref<160x128xi32, #tpu.memory_space<vmem>>) target_semaphore(%run_scoped3A_105 : memref<!tpu.dma_semaphore, #tpu.memory_space<semaphore_mem>>)
      %dma_wait3A_110 = arith.constant 0 : i32
      %dma_wait3A_111 = tpu.memref_slice %arg3[%mul3A_2, %dma_wait3A_110] : memref<2560x128xi32, #tpu.memory_space<hbm>> -> memref<160x128xi32, #tpu.memory_space<hbm>>
      %dma_wait3A_112 = arith.constant 0 : i32
      %dma_wait3A_113 = tpu.memref_slice %arg3[%mul3A_2, %dma_wait3A_112] : memref<2560x128xi32, #tpu.memory_space<hbm>> -> memref<160x128xi32, #tpu.memory_space<hbm>>
      tpu.wait_dma2 semaphore(%run_scoped3A_105 : memref<!tpu.dma_semaphore, #tpu.memory_space<semaphore_mem>>) src(%dma_wait3A_113 : memref<160x128xi32, #tpu.memory_space<hbm>>) dst(%arg7 : memref<160x128xi32, #tpu.memory_space<vmem>>)
      tpu.yield
    }) : () -> ()
    %mul3A_3 = arith.constant 160 : i32
    %mul3A_4 = arith.muli %arg1, %mul3A_3 : i32
    "tpu.region"() ({
      %run_scoped3A_105 = tpu.sem_alloc : memref<!tpu.dma_semaphore, #tpu.memory_space<semaphore_mem>>
      %dma_start3A_106 = arith.constant 0 : i32
      %dma_start3A_107 = tpu.memref_slice %arg4[%mul3A_4, %dma_start3A_106] : memref<2560x128xi32, #tpu.memory_space<hbm>> -> memref<160x128xi32, #tpu.memory_space<hbm>>
      %dma_start3A_108 = arith.constant 0 : i32
      %dma_start3A_109 = tpu.memref_slice %arg4[%mul3A_4, %dma_start3A_108] : memref<2560x128xi32, #tpu.memory_space<hbm>> -> memref<160x128xi32, #tpu.memory_space<hbm>>
      tpu.enqueue_dma source(%dma_start3A_109 : memref<160x128xi32, #tpu.memory_space<hbm>>) target(%arg8 : memref<160x128xi32, #tpu.memory_space<vmem>>) target_semaphore(%run_scoped3A_105 : memref<!tpu.dma_semaphore, #tpu.memory_space<semaphore_mem>>)
      %dma_wait3A_110 = arith.constant 0 : i32
      %dma_wait3A_111 = tpu.memref_slice %arg4[%mul3A_4, %dma_wait3A_110] : memref<2560x128xi32, #tpu.memory_space<hbm>> -> memref<160x128xi32, #tpu.memory_space<hbm>>
      %dma_wait3A_112 = arith.constant 0 : i32
      %dma_wait3A_113 = tpu.memref_slice %arg4[%mul3A_4, %dma_wait3A_112] : memref<2560x128xi32, #tpu.memory_space<hbm>> -> memref<160x128xi32, #tpu.memory_space<hbm>>
      tpu.wait_dma2 semaphore(%run_scoped3A_105 : memref<!tpu.dma_semaphore, #tpu.memory_space<semaphore_mem>>) src(%dma_wait3A_113 : memref<160x128xi32, #tpu.memory_space<hbm>>) dst(%arg8 : memref<160x128xi32, #tpu.memory_space<vmem>>)
      tpu.yield
    }) : () -> ()
    %dma_start3A = arith.constant 0 : i32
    %dma_start3A_5 = arith.constant 0 : i32
    %dma_start3A_6 = tpu.memref_slice %arg7[%dma_start3A, %dma_start3A_5] : memref<160x128xi32, #tpu.memory_space<vmem>> -> memref<1x128xi32, #tpu.memory_space<vmem>>
    %dma_start3A_7 = tpu.memref_squeeze %dma_start3A_6 : memref<1x128xi32, #tpu.memory_space<vmem>> -> memref<128xi32, #tpu.memory_space<vmem>>
    %dma_start3A_8 = arith.constant 0 : i32
    %dma_start3A_9 = arith.constant 0 : i32
    %dma_start3A_10 = tpu.memref_slice %arg2[%arg0, %dma_start3A_8, %dma_start3A_9] : memref<2x10240x64xf32, #tpu.memory_space<hbm>> -> memref<1x10240x64xf32, #tpu.memory_space<hbm>>
    %dma_start3A_11 = tpu.memref_squeeze %dma_start3A_10 : memref<1x10240x64xf32, #tpu.memory_space<hbm>> -> memref<10240x64xf32, #tpu.memory_space<hbm>>
    %dma_start3A_12 = arith.constant 0 : i32
    %dma_start3A_13 = arith.constant 0 : i32
    %dma_start3A_14 = tpu.memref_slice %dma_start3A_11[%dma_start3A_12, %dma_start3A_13] : memref<10240x64xf32, #tpu.memory_space<hbm>> -> memref<10240x64xf32, #tpu.memory_space<hbm>>
    tpu.enqueue_indirect_dma source(%dma_start3A_14 : memref<10240x64xf32, #tpu.memory_space<hbm>>) target(%arg9 : memref<128x64xf32, #tpu.memory_space<vmem>>) offsets(%dma_start3A_7 : memref<128xi32, #tpu.memory_space<vmem>>) semaphore(%arg14 : memref<!tpu.dma_semaphore, #tpu.memory_space<semaphore_mem>>)
    %dma_start3A_15 = arith.constant 1 : i32
    %dma_start3A_16 = arith.constant 0 : i32
    %dma_start3A_17 = tpu.memref_slice %arg7[%dma_start3A_15, %dma_start3A_16] : memref<160x128xi32, #tpu.memory_space<vmem>> -> memref<1x128xi32, #tpu.memory_space<vmem>>
    %dma_start3A_18 = tpu.memref_squeeze %dma_start3A_17 : memref<1x128xi32, #tpu.memory_space<vmem>> -> memref<128xi32, #tpu.memory_space<vmem>>
    %dma_start3A_19 = arith.constant 0 : i32
    %dma_start3A_20 = arith.constant 0 : i32
    %dma_start3A_21 = tpu.memref_slice %arg2[%arg0, %dma_start3A_19, %dma_start3A_20] : memref<2x10240x64xf32, #tpu.memory_space<hbm>> -> memref<1x10240x64xf32, #tpu.memory_space<hbm>>
    %dma_start3A_22 = tpu.memref_squeeze %dma_start3A_21 : memref<1x10240x64xf32, #tpu.memory_space<hbm>> -> memref<10240x64xf32, #tpu.memory_space<hbm>>
    %dma_start3A_23 = arith.constant 0 : i32
    %dma_start3A_24 = arith.constant 0 : i32
    %dma_start3A_25 = tpu.memref_slice %dma_start3A_22[%dma_start3A_23, %dma_start3A_24] : memref<10240x64xf32, #tpu.memory_space<hbm>> -> memref<10240x64xf32, #tpu.memory_space<hbm>>
    tpu.enqueue_indirect_dma source(%dma_start3A_25 : memref<10240x64xf32, #tpu.memory_space<hbm>>) target(%arg10 : memref<128x64xf32, #tpu.memory_space<vmem>>) offsets(%dma_start3A_18 : memref<128xi32, #tpu.memory_space<vmem>>) semaphore(%arg15 : memref<!tpu.dma_semaphore, #tpu.memory_space<semaphore_mem>>)
    %dma_start3A_26 = arith.constant 2 : i32
    %dma_start3A_27 = arith.constant 0 : i32
    %dma_start3A_28 = tpu.memref_slice %arg7[%dma_start3A_26, %dma_start3A_27] : memref<160x128xi32, #tpu.memory_space<vmem>> -> memref<1x128xi32, #tpu.memory_space<vmem>>
    %dma_start3A_29 = tpu.memref_squeeze %dma_start3A_28 : memref<1x128xi32, #tpu.memory_space<vmem>> -> memref<128xi32, #tpu.memory_space<vmem>>
    %dma_start3A_30 = arith.constant 0 : i32
    %dma_start3A_31 = arith.constant 0 : i32
    %dma_start3A_32 = tpu.memref_slice %arg2[%arg0, %dma_start3A_30, %dma_start3A_31] : memref<2x10240x64xf32, #tpu.memory_space<hbm>> -> memref<1x10240x64xf32, #tpu.memory_space<hbm>>
    %dma_start3A_33 = tpu.memref_squeeze %dma_start3A_32 : memref<1x10240x64xf32, #tpu.memory_space<hbm>> -> memref<10240x64xf32, #tpu.memory_space<hbm>>
    %dma_start3A_34 = arith.constant 0 : i32
    %dma_start3A_35 = arith.constant 0 : i32
    %dma_start3A_36 = tpu.memref_slice %dma_start3A_33[%dma_start3A_34, %dma_start3A_35] : memref<10240x64xf32, #tpu.memory_space<hbm>> -> memref<10240x64xf32, #tpu.memory_space<hbm>>
    tpu.enqueue_indirect_dma source(%dma_start3A_36 : memref<10240x64xf32, #tpu.memory_space<hbm>>) target(%arg11 : memref<128x64xf32, #tpu.memory_space<vmem>>) offsets(%dma_start3A_29 : memref<128xi32, #tpu.memory_space<vmem>>) semaphore(%arg16 : memref<!tpu.dma_semaphore, #tpu.memory_space<semaphore_mem>>)
    %dma_start3A_37 = arith.constant 3 : i32
    %dma_start3A_38 = arith.constant 0 : i32
    %dma_start3A_39 = tpu.memref_slice %arg7[%dma_start3A_37, %dma_start3A_38] : memref<160x128xi32, #tpu.memory_space<vmem>> -> memref<1x128xi32, #tpu.memory_space<vmem>>
    %dma_start3A_40 = tpu.memref_squeeze %dma_start3A_39 : memref<1x128xi32, #tpu.memory_space<vmem>> -> memref<128xi32, #tpu.memory_space<vmem>>
    %dma_start3A_41 = arith.constant 0 : i32
    %dma_start3A_42 = arith.constant 0 : i32
    %dma_start3A_43 = tpu.memref_slice %arg2[%arg0, %dma_start3A_41, %dma_start3A_42] : memref<2x10240x64xf32, #tpu.memory_space<hbm>> -> memref<1x10240x64xf32, #tpu.memory_space<hbm>>
    %dma_start3A_44 = tpu.memref_squeeze %dma_start3A_43 : memref<1x10240x64xf32, #tpu.memory_space<hbm>> -> memref<10240x64xf32, #tpu.memory_space<hbm>>
    %dma_start3A_45 = arith.constant 0 : i32
    %dma_start3A_46 = arith.constant 0 : i32
    %dma_start3A_47 = tpu.memref_slice %dma_start3A_44[%dma_start3A_45, %dma_start3A_46] : memref<10240x64xf32, #tpu.memory_space<hbm>> -> memref<10240x64xf32, #tpu.memory_space<hbm>>
    tpu.enqueue_indirect_dma source(%dma_start3A_47 : memref<10240x64xf32, #tpu.memory_space<hbm>>) target(%arg12 : memref<128x64xf32, #tpu.memory_space<vmem>>) offsets(%dma_start3A_40 : memref<128xi32, #tpu.memory_space<vmem>>) semaphore(%arg17 : memref<!tpu.dma_semaphore, #tpu.memory_space<semaphore_mem>>)
    %barrier3A = arith.constant 0 : index
    tpu.barrier barrier_id(%barrier3A)
    %scan3A = arith.constant 0 : i32
    %scan3A_48 = arith.constant 0 : i32
    %scan3A_49 = arith.constant 39 : i32
    %scan3A_50 = arith.addi %scan3A_48, %scan3A_49 : i32
    %scan3A_51 = arith.constant 1 : i32
    scf.for %scan3A_105 = %scan3A_48 to %scan3A_50 step %scan3A_51  : i32 {
      %mul3A_106 = arith.constant 4 : i32
      %mul3A_107 = arith.muli %scan3A_105, %mul3A_106 : i32
      %add3A = arith.constant 0 : i32
      %add3A_108 = arith.addi %mul3A_107, %add3A : i32
      %dma_wait3A_109 = arith.constant 0 : i32
      %dma_wait3A_110 = tpu.memref_slice %arg7[%add3A_108, %dma_wait3A_109] : memref<160x128xi32, #tpu.memory_space<vmem>> -> memref<1x128xi32, #tpu.memory_space<vmem>>
      %dma_wait3A_111 = tpu.memref_squeeze %dma_wait3A_110 : memref<1x128xi32, #tpu.memory_space<vmem>> -> memref<128xi32, #tpu.memory_space<vmem>>
      %dma_wait3A_112 = arith.constant 0 : i32
      %dma_wait3A_113 = arith.constant 0 : i32
      %dma_wait3A_114 = tpu.memref_slice %arg2[%arg0, %dma_wait3A_112, %dma_wait3A_113] : memref<2x10240x64xf32, #tpu.memory_space<hbm>> -> memref<1x10240x64xf32, #tpu.memory_space<hbm>>
      %dma_wait3A_115 = tpu.memref_squeeze %dma_wait3A_114 : memref<1x10240x64xf32, #tpu.memory_space<hbm>> -> memref<10240x64xf32, #tpu.memory_space<hbm>>
      %dma_wait3A_116 = arith.constant 0 : i32
      %dma_wait3A_117 = arith.constant 0 : i32
      %dma_wait3A_118 = tpu.memref_slice %dma_wait3A_115[%dma_wait3A_116, %dma_wait3A_117] : memref<10240x64xf32, #tpu.memory_space<hbm>> -> memref<10240x64xf32, #tpu.memory_space<hbm>>
      tpu.wait_indirect_dma semaphore(%arg14 : memref<!tpu.dma_semaphore, #tpu.memory_space<semaphore_mem>>) src(%dma_wait3A_118 : memref<10240x64xf32, #tpu.memory_space<hbm>>) dst(%arg9 : memref<128x64xf32, #tpu.memory_space<vmem>>)
      "tpu.region"() ({
        %run_scoped3A_203 = tpu.sem_alloc : memref<!tpu.dma_semaphore, #tpu.memory_space<semaphore_mem>>
        %dma_start3A_204 = arith.constant 0 : i32
        %dma_start3A_205 = tpu.memref_slice %arg8[%add3A_108, %dma_start3A_204] : memref<160x128xi32, #tpu.memory_space<vmem>> -> memref<1x128xi32, #tpu.memory_space<vmem>>
        %dma_start3A_206 = tpu.memref_squeeze %dma_start3A_205 : memref<1x128xi32, #tpu.memory_space<vmem>> -> memref<128xi32, #tpu.memory_space<vmem>>
        %dma_start3A_207 = arith.constant 0 : i32
        %dma_start3A_208 = arith.constant 0 : i32
        %dma_start3A_209 = tpu.memref_slice %arg13[%dma_start3A_207, %dma_start3A_208] : memref<10240x64xf32, #tpu.memory_space<vmem_shared>> -> memref<10240x64xf32, #tpu.memory_space<vmem_shared>>
        tpu.enqueue_indirect_dma source(%arg9 : memref<128x64xf32, #tpu.memory_space<vmem>>) target(%dma_start3A_209 : memref<10240x64xf32, #tpu.memory_space<vmem_shared>>) offsets(%dma_start3A_206 : memref<128xi32, #tpu.memory_space<vmem>>) semaphore(%run_scoped3A_203 : memref<!tpu.dma_semaphore, #tpu.memory_space<semaphore_mem>>) {add = true}
        %dma_wait3A_210 = arith.constant 0 : i32
        %dma_wait3A_211 = tpu.memref_slice %arg8[%add3A_108, %dma_wait3A_210] : memref<160x128xi32, #tpu.memory_space<vmem>> -> memref<1x128xi32, #tpu.memory_space<vmem>>
        %dma_wait3A_212 = tpu.memref_squeeze %dma_wait3A_211 : memref<1x128xi32, #tpu.memory_space<vmem>> -> memref<128xi32, #tpu.memory_space<vmem>>
        %dma_wait3A_213 = arith.constant 0 : i32
        %dma_wait3A_214 = arith.constant 0 : i32
        %dma_wait3A_215 = tpu.memref_slice %arg13[%dma_wait3A_213, %dma_wait3A_214] : memref<10240x64xf32, #tpu.memory_space<vmem_shared>> -> memref<10240x64xf32, #tpu.memory_space<vmem_shared>>
        tpu.wait_indirect_dma semaphore(%run_scoped3A_203 : memref<!tpu.dma_semaphore, #tpu.memory_space<semaphore_mem>>) src(%arg9 : memref<128x64xf32, #tpu.memory_space<vmem>>) dst(%dma_wait3A_215 : memref<10240x64xf32, #tpu.memory_space<vmem_shared>>)
        tpu.yield
      }) : () -> ()
      %add3A_119 = arith.constant 4 : i32
      %add3A_120 = arith.addi %add3A_108, %add3A_119 : i32
      %dma_start3A_121 = arith.constant 0 : i32
      %dma_start3A_122 = tpu.memref_slice %arg7[%add3A_120, %dma_start3A_121] : memref<160x128xi32, #tpu.memory_space<vmem>> -> memref<1x128xi32, #tpu.memory_space<vmem>>
      %dma_start3A_123 = tpu.memref_squeeze %dma_start3A_122 : memref<1x128xi32, #tpu.memory_space<vmem>> -> memref<128xi32, #tpu.memory_space<vmem>>
      %dma_start3A_124 = arith.constant 0 : i32
      %dma_start3A_125 = arith.constant 0 : i32
      %dma_start3A_126 = tpu.memref_slice %arg2[%arg0, %dma_start3A_124, %dma_start3A_125] : memref<2x10240x64xf32, #tpu.memory_space<hbm>> -> memref<1x10240x64xf32, #tpu.memory_space<hbm>>
      %dma_start3A_127 = tpu.memref_squeeze %dma_start3A_126 : memref<1x10240x64xf32, #tpu.memory_space<hbm>> -> memref<10240x64xf32, #tpu.memory_space<hbm>>
      %dma_start3A_128 = arith.constant 0 : i32
      %dma_start3A_129 = arith.constant 0 : i32
      %dma_start3A_130 = tpu.memref_slice %dma_start3A_127[%dma_start3A_128, %dma_start3A_129] : memref<10240x64xf32, #tpu.memory_space<hbm>> -> memref<10240x64xf32, #tpu.memory_space<hbm>>
      tpu.enqueue_indirect_dma source(%dma_start3A_130 : memref<10240x64xf32, #tpu.memory_space<hbm>>) target(%arg9 : memref<128x64xf32, #tpu.memory_space<vmem>>) offsets(%dma_start3A_123 : memref<128xi32, #tpu.memory_space<vmem>>) semaphore(%arg14 : memref<!tpu.dma_semaphore, #tpu.memory_space<semaphore_mem>>)
      %add3A_131 = arith.constant 1 : i32
      %add3A_132 = arith.addi %mul3A_107, %add3A_131 : i32
      %dma_wait3A_133 = arith.constant 0 : i32
      %dma_wait3A_134 = tpu.memref_slice %arg7[%add3A_132, %dma_wait3A_133] : memref<160x128xi32, #tpu.memory_space<vmem>> -> memref<1x128xi32, #tpu.memory_space<vmem>>
      %dma_wait3A_135 = tpu.memref_squeeze %dma_wait3A_134 : memref<1x128xi32, #tpu.memory_space<vmem>> -> memref<128xi32, #tpu.memory_space<vmem>>
      %dma_wait3A_136 = arith.constant 0 : i32
      %dma_wait3A_137 = arith.constant 0 : i32
      %dma_wait3A_138 = tpu.memref_slice %arg2[%arg0, %dma_wait3A_136, %dma_wait3A_137] : memref<2x10240x64xf32, #tpu.memory_space<hbm>> -> memref<1x10240x64xf32, #tpu.memory_space<hbm>>
      %dma_wait3A_139 = tpu.memref_squeeze %dma_wait3A_138 : memref<1x10240x64xf32, #tpu.memory_space<hbm>> -> memref<10240x64xf32, #tpu.memory_space<hbm>>
      %dma_wait3A_140 = arith.constant 0 : i32
      %dma_wait3A_141 = arith.constant 0 : i32
      %dma_wait3A_142 = tpu.memref_slice %dma_wait3A_139[%dma_wait3A_140, %dma_wait3A_141] : memref<10240x64xf32, #tpu.memory_space<hbm>> -> memref<10240x64xf32, #tpu.memory_space<hbm>>
      tpu.wait_indirect_dma semaphore(%arg15 : memref<!tpu.dma_semaphore, #tpu.memory_space<semaphore_mem>>) src(%dma_wait3A_142 : memref<10240x64xf32, #tpu.memory_space<hbm>>) dst(%arg10 : memref<128x64xf32, #tpu.memory_space<vmem>>)
      "tpu.region"() ({
        %run_scoped3A_203 = tpu.sem_alloc : memref<!tpu.dma_semaphore, #tpu.memory_space<semaphore_mem>>
        %dma_start3A_204 = arith.constant 0 : i32
        %dma_start3A_205 = tpu.memref_slice %arg8[%add3A_132, %dma_start3A_204] : memref<160x128xi32, #tpu.memory_space<vmem>> -> memref<1x128xi32, #tpu.memory_space<vmem>>
        %dma_start3A_206 = tpu.memref_squeeze %dma_start3A_205 : memref<1x128xi32, #tpu.memory_space<vmem>> -> memref<128xi32, #tpu.memory_space<vmem>>
        %dma_start3A_207 = arith.constant 0 : i32
        %dma_start3A_208 = arith.constant 0 : i32
        %dma_start3A_209 = tpu.memref_slice %arg13[%dma_start3A_207, %dma_start3A_208] : memref<10240x64xf32, #tpu.memory_space<vmem_shared>> -> memref<10240x64xf32, #tpu.memory_space<vmem_shared>>
        tpu.enqueue_indirect_dma source(%arg10 : memref<128x64xf32, #tpu.memory_space<vmem>>) target(%dma_start3A_209 : memref<10240x64xf32, #tpu.memory_space<vmem_shared>>) offsets(%dma_start3A_206 : memref<128xi32, #tpu.memory_space<vmem>>) semaphore(%run_scoped3A_203 : memref<!tpu.dma_semaphore, #tpu.memory_space<semaphore_mem>>) {add = true}
        %dma_wait3A_210 = arith.constant 0 : i32
        %dma_wait3A_211 = tpu.memref_slice %arg8[%add3A_132, %dma_wait3A_210] : memref<160x128xi32, #tpu.memory_space<vmem>> -> memref<1x128xi32, #tpu.memory_space<vmem>>
        %dma_wait3A_212 = tpu.memref_squeeze %dma_wait3A_211 : memref<1x128xi32, #tpu.memory_space<vmem>> -> memref<128xi32, #tpu.memory_space<vmem>>
        %dma_wait3A_213 = arith.constant 0 : i32
        %dma_wait3A_214 = arith.constant 0 : i32
        %dma_wait3A_215 = tpu.memref_slice %arg13[%dma_wait3A_213, %dma_wait3A_214] : memref<10240x64xf32, #tpu.memory_space<vmem_shared>> -> memref<10240x64xf32, #tpu.memory_space<vmem_shared>>
        tpu.wait_indirect_dma semaphore(%run_scoped3A_203 : memref<!tpu.dma_semaphore, #tpu.memory_space<semaphore_mem>>) src(%arg10 : memref<128x64xf32, #tpu.memory_space<vmem>>) dst(%dma_wait3A_215 : memref<10240x64xf32, #tpu.memory_space<vmem_shared>>)
        tpu.yield
      }) : () -> ()
      %add3A_143 = arith.constant 4 : i32
      %add3A_144 = arith.addi %add3A_132, %add3A_143 : i32
      %dma_start3A_145 = arith.constant 0 : i32
      %dma_start3A_146 = tpu.memref_slice %arg7[%add3A_144, %dma_start3A_145] : memref<160x128xi32, #tpu.memory_space<vmem>> -> memref<1x128xi32, #tpu.memory_space<vmem>>
      %dma_start3A_147 = tpu.memref_squeeze %dma_start3A_146 : memref<1x128xi32, #tpu.memory_space<vmem>> -> memref<128xi32, #tpu.memory_space<vmem>>
      %dma_start3A_148 = arith.constant 0 : i32
      %dma_start3A_149 = arith.constant 0 : i32
      %dma_start3A_150 = tpu.memref_slice %arg2[%arg0, %dma_start3A_148, %dma_start3A_149] : memref<2x10240x64xf32, #tpu.memory_space<hbm>> -> memref<1x10240x64xf32, #tpu.memory_space<hbm>>
      %dma_start3A_151 = tpu.memref_squeeze %dma_start3A_150 : memref<1x10240x64xf32, #tpu.memory_space<hbm>> -> memref<10240x64xf32, #tpu.memory_space<hbm>>
      %dma_start3A_152 = arith.constant 0 : i32
      %dma_start3A_153 = arith.constant 0 : i32
      %dma_start3A_154 = tpu.memref_slice %dma_start3A_151[%dma_start3A_152, %dma_start3A_153] : memref<10240x64xf32, #tpu.memory_space<hbm>> -> memref<10240x64xf32, #tpu.memory_space<hbm>>
      tpu.enqueue_indirect_dma source(%dma_start3A_154 : memref<10240x64xf32, #tpu.memory_space<hbm>>) target(%arg10 : memref<128x64xf32, #tpu.memory_space<vmem>>) offsets(%dma_start3A_147 : memref<128xi32, #tpu.memory_space<vmem>>) semaphore(%arg15 : memref<!tpu.dma_semaphore, #tpu.memory_space<semaphore_mem>>)
      %add3A_155 = arith.constant 2 : i32
      %add3A_156 = arith.addi %mul3A_107, %add3A_155 : i32
      %dma_wait3A_157 = arith.constant 0 : i32
      %dma_wait3A_158 = tpu.memref_slice %arg7[%add3A_156, %dma_wait3A_157] : memref<160x128xi32, #tpu.memory_space<vmem>> -> memref<1x128xi32, #tpu.memory_space<vmem>>
      %dma_wait3A_159 = tpu.memref_squeeze %dma_wait3A_158 : memref<1x128xi32, #tpu.memory_space<vmem>> -> memref<128xi32, #tpu.memory_space<vmem>>
      %dma_wait3A_160 = arith.constant 0 : i32
      %dma_wait3A_161 = arith.constant 0 : i32
      %dma_wait3A_162 = tpu.memref_slice %arg2[%arg0, %dma_wait3A_160, %dma_wait3A_161] : memref<2x10240x64xf32, #tpu.memory_space<hbm>> -> memref<1x10240x64xf32, #tpu.memory_space<hbm>>
      %dma_wait3A_163 = tpu.memref_squeeze %dma_wait3A_162 : memref<1x10240x64xf32, #tpu.memory_space<hbm>> -> memref<10240x64xf32, #tpu.memory_space<hbm>>
      %dma_wait3A_164 = arith.constant 0 : i32
      %dma_wait3A_165 = arith.constant 0 : i32
      %dma_wait3A_166 = tpu.memref_slice %dma_wait3A_163[%dma_wait3A_164, %dma_wait3A_165] : memref<10240x64xf32, #tpu.memory_space<hbm>> -> memref<10240x64xf32, #tpu.memory_space<hbm>>
      tpu.wait_indirect_dma semaphore(%arg16 : memref<!tpu.dma_semaphore, #tpu.memory_space<semaphore_mem>>) src(%dma_wait3A_166 : memref<10240x64xf32, #tpu.memory_space<hbm>>) dst(%arg11 : memref<128x64xf32, #tpu.memory_space<vmem>>)
      "tpu.region"() ({
        %run_scoped3A_203 = tpu.sem_alloc : memref<!tpu.dma_semaphore, #tpu.memory_space<semaphore_mem>>
        %dma_start3A_204 = arith.constant 0 : i32
        %dma_start3A_205 = tpu.memref_slice %arg8[%add3A_156, %dma_start3A_204] : memref<160x128xi32, #tpu.memory_space<vmem>> -> memref<1x128xi32, #tpu.memory_space<vmem>>
        %dma_start3A_206 = tpu.memref_squeeze %dma_start3A_205 : memref<1x128xi32, #tpu.memory_space<vmem>> -> memref<128xi32, #tpu.memory_space<vmem>>
        %dma_start3A_207 = arith.constant 0 : i32
        %dma_start3A_208 = arith.constant 0 : i32
        %dma_start3A_209 = tpu.memref_slice %arg13[%dma_start3A_207, %dma_start3A_208] : memref<10240x64xf32, #tpu.memory_space<vmem_shared>> -> memref<10240x64xf32, #tpu.memory_space<vmem_shared>>
        tpu.enqueue_indirect_dma source(%arg11 : memref<128x64xf32, #tpu.memory_space<vmem>>) target(%dma_start3A_209 : memref<10240x64xf32, #tpu.memory_space<vmem_shared>>) offsets(%dma_start3A_206 : memref<128xi32, #tpu.memory_space<vmem>>) semaphore(%run_scoped3A_203 : memref<!tpu.dma_semaphore, #tpu.memory_space<semaphore_mem>>) {add = true}
        %dma_wait3A_210 = arith.constant 0 : i32
        %dma_wait3A_211 = tpu.memref_slice %arg8[%add3A_156, %dma_wait3A_210] : memref<160x128xi32, #tpu.memory_space<vmem>> -> memref<1x128xi32, #tpu.memory_space<vmem>>
        %dma_wait3A_212 = tpu.memref_squeeze %dma_wait3A_211 : memref<1x128xi32, #tpu.memory_space<vmem>> -> memref<128xi32, #tpu.memory_space<vmem>>
        %dma_wait3A_213 = arith.constant 0 : i32
        %dma_wait3A_214 = arith.constant 0 : i32
        %dma_wait3A_215 = tpu.memref_slice %arg13[%dma_wait3A_213, %dma_wait3A_214] : memref<10240x64xf32, #tpu.memory_space<vmem_shared>> -> memref<10240x64xf32, #tpu.memory_space<vmem_shared>>
        tpu.wait_indirect_dma semaphore(%run_scoped3A_203 : memref<!tpu.dma_semaphore, #tpu.memory_space<semaphore_mem>>) src(%arg11 : memref<128x64xf32, #tpu.memory_space<vmem>>) dst(%dma_wait3A_215 : memref<10240x64xf32, #tpu.memory_space<vmem_shared>>)
        tpu.yield
      }) : () -> ()
      %add3A_167 = arith.constant 4 : i32
      %add3A_168 = arith.addi %add3A_156, %add3A_167 : i32
      %dma_start3A_169 = arith.constant 0 : i32
      %dma_start3A_170 = tpu.memref_slice %arg7[%add3A_168, %dma_start3A_169] : memref<160x128xi32, #tpu.memory_space<vmem>> -> memref<1x128xi32, #tpu.memory_space<vmem>>
      %dma_start3A_171 = tpu.memref_squeeze %dma_start3A_170 : memref<1x128xi32, #tpu.memory_space<vmem>> -> memref<128xi32, #tpu.memory_space<vmem>>
      %dma_start3A_172 = arith.constant 0 : i32
      %dma_start3A_173 = arith.constant 0 : i32
      %dma_start3A_174 = tpu.memref_slice %arg2[%arg0, %dma_start3A_172, %dma_start3A_173] : memref<2x10240x64xf32, #tpu.memory_space<hbm>> -> memref<1x10240x64xf32, #tpu.memory_space<hbm>>
      %dma_start3A_175 = tpu.memref_squeeze %dma_start3A_174 : memref<1x10240x64xf32, #tpu.memory_space<hbm>> -> memref<10240x64xf32, #tpu.memory_space<hbm>>
      %dma_start3A_176 = arith.constant 0 : i32
      %dma_start3A_177 = arith.constant 0 : i32
      %dma_start3A_178 = tpu.memref_slice %dma_start3A_175[%dma_start3A_176, %dma_start3A_177] : memref<10240x64xf32, #tpu.memory_space<hbm>> -> memref<10240x64xf32, #tpu.memory_space<hbm>>
      tpu.enqueue_indirect_dma source(%dma_start3A_178 : memref<10240x64xf32, #tpu.memory_space<hbm>>) target(%arg11 : memref<128x64xf32, #tpu.memory_space<vmem>>) offsets(%dma_start3A_171 : memref<128xi32, #tpu.memory_space<vmem>>) semaphore(%arg16 : memref<!tpu.dma_semaphore, #tpu.memory_space<semaphore_mem>>)
      %add3A_179 = arith.constant 3 : i32
      %add3A_180 = arith.addi %mul3A_107, %add3A_179 : i32
      %dma_wait3A_181 = arith.constant 0 : i32
      %dma_wait3A_182 = tpu.memref_slice %arg7[%add3A_180, %dma_wait3A_181] : memref<160x128xi32, #tpu.memory_space<vmem>> -> memref<1x128xi32, #tpu.memory_space<vmem>>
      %dma_wait3A_183 = tpu.memref_squeeze %dma_wait3A_182 : memref<1x128xi32, #tpu.memory_space<vmem>> -> memref<128xi32, #tpu.memory_space<vmem>>
      %dma_wait3A_184 = arith.constant 0 : i32
      %dma_wait3A_185 = arith.constant 0 : i32
      %dma_wait3A_186 = tpu.memref_slice %arg2[%arg0, %dma_wait3A_184, %dma_wait3A_185] : memref<2x10240x64xf32, #tpu.memory_space<hbm>> -> memref<1x10240x64xf32, #tpu.memory_space<hbm>>
      %dma_wait3A_187 = tpu.memref_squeeze %dma_wait3A_186 : memref<1x10240x64xf32, #tpu.memory_space<hbm>> -> memref<10240x64xf32, #tpu.memory_space<hbm>>
      %dma_wait3A_188 = arith.constant 0 : i32
      %dma_wait3A_189 = arith.constant 0 : i32
      %dma_wait3A_190 = tpu.memref_slice %dma_wait3A_187[%dma_wait3A_188, %dma_wait3A_189] : memref<10240x64xf32, #tpu.memory_space<hbm>> -> memref<10240x64xf32, #tpu.memory_space<hbm>>
      tpu.wait_indirect_dma semaphore(%arg17 : memref<!tpu.dma_semaphore, #tpu.memory_space<semaphore_mem>>) src(%dma_wait3A_190 : memref<10240x64xf32, #tpu.memory_space<hbm>>) dst(%arg12 : memref<128x64xf32, #tpu.memory_space<vmem>>)
      "tpu.region"() ({
        %run_scoped3A_203 = tpu.sem_alloc : memref<!tpu.dma_semaphore, #tpu.memory_space<semaphore_mem>>
        %dma_start3A_204 = arith.constant 0 : i32
        %dma_start3A_205 = tpu.memref_slice %arg8[%add3A_180, %dma_start3A_204] : memref<160x128xi32, #tpu.memory_space<vmem>> -> memref<1x128xi32, #tpu.memory_space<vmem>>
        %dma_start3A_206 = tpu.memref_squeeze %dma_start3A_205 : memref<1x128xi32, #tpu.memory_space<vmem>> -> memref<128xi32, #tpu.memory_space<vmem>>
        %dma_start3A_207 = arith.constant 0 : i32
        %dma_start3A_208 = arith.constant 0 : i32
        %dma_start3A_209 = tpu.memref_slice %arg13[%dma_start3A_207, %dma_start3A_208] : memref<10240x64xf32, #tpu.memory_space<vmem_shared>> -> memref<10240x64xf32, #tpu.memory_space<vmem_shared>>
        tpu.enqueue_indirect_dma source(%arg12 : memref<128x64xf32, #tpu.memory_space<vmem>>) target(%dma_start3A_209 : memref<10240x64xf32, #tpu.memory_space<vmem_shared>>) offsets(%dma_start3A_206 : memref<128xi32, #tpu.memory_space<vmem>>) semaphore(%run_scoped3A_203 : memref<!tpu.dma_semaphore, #tpu.memory_space<semaphore_mem>>) {add = true}
        %dma_wait3A_210 = arith.constant 0 : i32
        %dma_wait3A_211 = tpu.memref_slice %arg8[%add3A_180, %dma_wait3A_210] : memref<160x128xi32, #tpu.memory_space<vmem>> -> memref<1x128xi32, #tpu.memory_space<vmem>>
        %dma_wait3A_212 = tpu.memref_squeeze %dma_wait3A_211 : memref<1x128xi32, #tpu.memory_space<vmem>> -> memref<128xi32, #tpu.memory_space<vmem>>
        %dma_wait3A_213 = arith.constant 0 : i32
        %dma_wait3A_214 = arith.constant 0 : i32
        %dma_wait3A_215 = tpu.memref_slice %arg13[%dma_wait3A_213, %dma_wait3A_214] : memref<10240x64xf32, #tpu.memory_space<vmem_shared>> -> memref<10240x64xf32, #tpu.memory_space<vmem_shared>>
        tpu.wait_indirect_dma semaphore(%run_scoped3A_203 : memref<!tpu.dma_semaphore, #tpu.memory_space<semaphore_mem>>) src(%arg12 : memref<128x64xf32, #tpu.memory_space<vmem>>) dst(%dma_wait3A_215 : memref<10240x64xf32, #tpu.memory_space<vmem_shared>>)
        tpu.yield
      }) : () -> ()
      %add3A_191 = arith.constant 4 : i32
      %add3A_192 = arith.addi %add3A_180, %add3A_191 : i32
      %dma_start3A_193 = arith.constant 0 : i32
      %dma_start3A_194 = tpu.memref_slice %arg7[%add3A_192, %dma_start3A_193] : memref<160x128xi32, #tpu.memory_space<vmem>> -> memref<1x128xi32, #tpu.memory_space<vmem>>
      %dma_start3A_195 = tpu.memref_squeeze %dma_start3A_194 : memref<1x128xi32, #tpu.memory_space<vmem>> -> memref<128xi32, #tpu.memory_space<vmem>>
      %dma_start3A_196 = arith.constant 0 : i32
      %dma_start3A_197 = arith.constant 0 : i32
      %dma_start3A_198 = tpu.memref_slice %arg2[%arg0, %dma_start3A_196, %dma_start3A_197] : memref<2x10240x64xf32, #tpu.memory_space<hbm>> -> memref<1x10240x64xf32, #tpu.memory_space<hbm>>
      %dma_start3A_199 = tpu.memref_squeeze %dma_start3A_198 : memref<1x10240x64xf32, #tpu.memory_space<hbm>> -> memref<10240x64xf32, #tpu.memory_space<hbm>>
      %dma_start3A_200 = arith.constant 0 : i32
      %dma_start3A_201 = arith.constant 0 : i32
      %dma_start3A_202 = tpu.memref_slice %dma_start3A_199[%dma_start3A_200, %dma_start3A_201] : memref<10240x64xf32, #tpu.memory_space<hbm>> -> memref<10240x64xf32, #tpu.memory_space<hbm>>
      tpu.enqueue_indirect_dma source(%dma_start3A_202 : memref<10240x64xf32, #tpu.memory_space<hbm>>) target(%arg12 : memref<128x64xf32, #tpu.memory_space<vmem>>) offsets(%dma_start3A_195 : memref<128xi32, #tpu.memory_space<vmem>>) semaphore(%arg17 : memref<!tpu.dma_semaphore, #tpu.memory_space<semaphore_mem>>)
    }
    %scan3A_52 = arith.constant 39 : i32
    %dma_wait3A = arith.constant 156 : i32
    %dma_wait3A_53 = arith.constant 0 : i32
    %dma_wait3A_54 = tpu.memref_slice %arg7[%dma_wait3A, %dma_wait3A_53] : memref<160x128xi32, #tpu.memory_space<vmem>> -> memref<1x128xi32, #tpu.memory_space<vmem>>
    %dma_wait3A_55 = tpu.memref_squeeze %dma_wait3A_54 : memref<1x128xi32, #tpu.memory_space<vmem>> -> memref<128xi32, #tpu.memory_space<vmem>>
    %dma_wait3A_56 = arith.constant 0 : i32
    %dma_wait3A_57 = arith.constant 0 : i32
    %dma_wait3A_58 = tpu.memref_slice %arg2[%arg0, %dma_wait3A_56, %dma_wait3A_57] : memref<2x10240x64xf32, #tpu.memory_space<hbm>> -> memref<1x10240x64xf32, #tpu.memory_space<hbm>>
    %dma_wait3A_59 = tpu.memref_squeeze %dma_wait3A_58 : memref<1x10240x64xf32, #tpu.memory_space<hbm>> -> memref<10240x64xf32, #tpu.memory_space<hbm>>
    %dma_wait3A_60 = arith.constant 0 : i32
    %dma_wait3A_61 = arith.constant 0 : i32
    %dma_wait3A_62 = tpu.memref_slice %dma_wait3A_59[%dma_wait3A_60, %dma_wait3A_61] : memref<10240x64xf32, #tpu.memory_space<hbm>> -> memref<10240x64xf32, #tpu.memory_space<hbm>>
    tpu.wait_indirect_dma semaphore(%arg14 : memref<!tpu.dma_semaphore, #tpu.memory_space<semaphore_mem>>) src(%dma_wait3A_62 : memref<10240x64xf32, #tpu.memory_space<hbm>>) dst(%arg9 : memref<128x64xf32, #tpu.memory_space<vmem>>)
    %run_scoped3A = arith.constant 156 : i32
    "tpu.region"() ({
      %run_scoped3A_105 = tpu.sem_alloc : memref<!tpu.dma_semaphore, #tpu.memory_space<semaphore_mem>>
      %dma_start3A_106 = arith.constant 0 : i32
      %dma_start3A_107 = tpu.memref_slice %arg8[%run_scoped3A, %dma_start3A_106] : memref<160x128xi32, #tpu.memory_space<vmem>> -> memref<1x128xi32, #tpu.memory_space<vmem>>
      %dma_start3A_108 = tpu.memref_squeeze %dma_start3A_107 : memref<1x128xi32, #tpu.memory_space<vmem>> -> memref<128xi32, #tpu.memory_space<vmem>>
      %dma_start3A_109 = arith.constant 0 : i32
      %dma_start3A_110 = arith.constant 0 : i32
      %dma_start3A_111 = tpu.memref_slice %arg13[%dma_start3A_109, %dma_start3A_110] : memref<10240x64xf32, #tpu.memory_space<vmem_shared>> -> memref<10240x64xf32, #tpu.memory_space<vmem_shared>>
      tpu.enqueue_indirect_dma source(%arg9 : memref<128x64xf32, #tpu.memory_space<vmem>>) target(%dma_start3A_111 : memref<10240x64xf32, #tpu.memory_space<vmem_shared>>) offsets(%dma_start3A_108 : memref<128xi32, #tpu.memory_space<vmem>>) semaphore(%run_scoped3A_105 : memref<!tpu.dma_semaphore, #tpu.memory_space<semaphore_mem>>) {add = true}
      %dma_wait3A_112 = arith.constant 0 : i32
      %dma_wait3A_113 = tpu.memref_slice %arg8[%run_scoped3A, %dma_wait3A_112] : memref<160x128xi32, #tpu.memory_space<vmem>> -> memref<1x128xi32, #tpu.memory_space<vmem>>
      %dma_wait3A_114 = tpu.memref_squeeze %dma_wait3A_113 : memref<1x128xi32, #tpu.memory_space<vmem>> -> memref<128xi32, #tpu.memory_space<vmem>>
      %dma_wait3A_115 = arith.constant 0 : i32
      %dma_wait3A_116 = arith.constant 0 : i32
      %dma_wait3A_117 = tpu.memref_slice %arg13[%dma_wait3A_115, %dma_wait3A_116] : memref<10240x64xf32, #tpu.memory_space<vmem_shared>> -> memref<10240x64xf32, #tpu.memory_space<vmem_shared>>
      tpu.wait_indirect_dma semaphore(%run_scoped3A_105 : memref<!tpu.dma_semaphore, #tpu.memory_space<semaphore_mem>>) src(%arg9 : memref<128x64xf32, #tpu.memory_space<vmem>>) dst(%dma_wait3A_117 : memref<10240x64xf32, #tpu.memory_space<vmem_shared>>)
      tpu.yield
    }) : () -> ()
    %dma_wait3A_63 = arith.constant 157 : i32
    %dma_wait3A_64 = arith.constant 0 : i32
    %dma_wait3A_65 = tpu.memref_slice %arg7[%dma_wait3A_63, %dma_wait3A_64] : memref<160x128xi32, #tpu.memory_space<vmem>> -> memref<1x128xi32, #tpu.memory_space<vmem>>
    %dma_wait3A_66 = tpu.memref_squeeze %dma_wait3A_65 : memref<1x128xi32, #tpu.memory_space<vmem>> -> memref<128xi32, #tpu.memory_space<vmem>>
    %dma_wait3A_67 = arith.constant 0 : i32
    %dma_wait3A_68 = arith.constant 0 : i32
    %dma_wait3A_69 = tpu.memref_slice %arg2[%arg0, %dma_wait3A_67, %dma_wait3A_68] : memref<2x10240x64xf32, #tpu.memory_space<hbm>> -> memref<1x10240x64xf32, #tpu.memory_space<hbm>>
    %dma_wait3A_70 = tpu.memref_squeeze %dma_wait3A_69 : memref<1x10240x64xf32, #tpu.memory_space<hbm>> -> memref<10240x64xf32, #tpu.memory_space<hbm>>
    %dma_wait3A_71 = arith.constant 0 : i32
    %dma_wait3A_72 = arith.constant 0 : i32
    %dma_wait3A_73 = tpu.memref_slice %dma_wait3A_70[%dma_wait3A_71, %dma_wait3A_72] : memref<10240x64xf32, #tpu.memory_space<hbm>> -> memref<10240x64xf32, #tpu.memory_space<hbm>>
    tpu.wait_indirect_dma semaphore(%arg15 : memref<!tpu.dma_semaphore, #tpu.memory_space<semaphore_mem>>) src(%dma_wait3A_73 : memref<10240x64xf32, #tpu.memory_space<hbm>>) dst(%arg10 : memref<128x64xf32, #tpu.memory_space<vmem>>)
    %run_scoped3A_74 = arith.constant 157 : i32
    "tpu.region"() ({
      %run_scoped3A_105 = tpu.sem_alloc : memref<!tpu.dma_semaphore, #tpu.memory_space<semaphore_mem>>
      %dma_start3A_106 = arith.constant 0 : i32
      %dma_start3A_107 = tpu.memref_slice %arg8[%run_scoped3A_74, %dma_start3A_106] : memref<160x128xi32, #tpu.memory_space<vmem>> -> memref<1x128xi32, #tpu.memory_space<vmem>>
      %dma_start3A_108 = tpu.memref_squeeze %dma_start3A_107 : memref<1x128xi32, #tpu.memory_space<vmem>> -> memref<128xi32, #tpu.memory_space<vmem>>
      %dma_start3A_109 = arith.constant 0 : i32
      %dma_start3A_110 = arith.constant 0 : i32
      %dma_start3A_111 = tpu.memref_slice %arg13[%dma_start3A_109, %dma_start3A_110] : memref<10240x64xf32, #tpu.memory_space<vmem_shared>> -> memref<10240x64xf32, #tpu.memory_space<vmem_shared>>
      tpu.enqueue_indirect_dma source(%arg10 : memref<128x64xf32, #tpu.memory_space<vmem>>) target(%dma_start3A_111 : memref<10240x64xf32, #tpu.memory_space<vmem_shared>>) offsets(%dma_start3A_108 : memref<128xi32, #tpu.memory_space<vmem>>) semaphore(%run_scoped3A_105 : memref<!tpu.dma_semaphore, #tpu.memory_space<semaphore_mem>>) {add = true}
      %dma_wait3A_112 = arith.constant 0 : i32
      %dma_wait3A_113 = tpu.memref_slice %arg8[%run_scoped3A_74, %dma_wait3A_112] : memref<160x128xi32, #tpu.memory_space<vmem>> -> memref<1x128xi32, #tpu.memory_space<vmem>>
      %dma_wait3A_114 = tpu.memref_squeeze %dma_wait3A_113 : memref<1x128xi32, #tpu.memory_space<vmem>> -> memref<128xi32, #tpu.memory_space<vmem>>
      %dma_wait3A_115 = arith.constant 0 : i32
      %dma_wait3A_116 = arith.constant 0 : i32
      %dma_wait3A_117 = tpu.memref_slice %arg13[%dma_wait3A_115, %dma_wait3A_116] : memref<10240x64xf32, #tpu.memory_space<vmem_shared>> -> memref<10240x64xf32, #tpu.memory_space<vmem_shared>>
      tpu.wait_indirect_dma semaphore(%run_scoped3A_105 : memref<!tpu.dma_semaphore, #tpu.memory_space<semaphore_mem>>) src(%arg10 : memref<128x64xf32, #tpu.memory_space<vmem>>) dst(%dma_wait3A_117 : memref<10240x64xf32, #tpu.memory_space<vmem_shared>>)
      tpu.yield
    }) : () -> ()
    %dma_wait3A_75 = arith.constant 158 : i32
    %dma_wait3A_76 = arith.constant 0 : i32
    %dma_wait3A_77 = tpu.memref_slice %arg7[%dma_wait3A_75, %dma_wait3A_76] : memref<160x128xi32, #tpu.memory_space<vmem>> -> memref<1x128xi32, #tpu.memory_space<vmem>>
    %dma_wait3A_78 = tpu.memref_squeeze %dma_wait3A_77 : memref<1x128xi32, #tpu.memory_space<vmem>> -> memref<128xi32, #tpu.memory_space<vmem>>
    %dma_wait3A_79 = arith.constant 0 : i32
    %dma_wait3A_80 = arith.constant 0 : i32
    %dma_wait3A_81 = tpu.memref_slice %arg2[%arg0, %dma_wait3A_79, %dma_wait3A_80] : memref<2x10240x64xf32, #tpu.memory_space<hbm>> -> memref<1x10240x64xf32, #tpu.memory_space<hbm>>
    %dma_wait3A_82 = tpu.memref_squeeze %dma_wait3A_81 : memref<1x10240x64xf32, #tpu.memory_space<hbm>> -> memref<10240x64xf32, #tpu.memory_space<hbm>>
    %dma_wait3A_83 = arith.constant 0 : i32
    %dma_wait3A_84 = arith.constant 0 : i32
    %dma_wait3A_85 = tpu.memref_slice %dma_wait3A_82[%dma_wait3A_83, %dma_wait3A_84] : memref<10240x64xf32, #tpu.memory_space<hbm>> -> memref<10240x64xf32, #tpu.memory_space<hbm>>
    tpu.wait_indirect_dma semaphore(%arg16 : memref<!tpu.dma_semaphore, #tpu.memory_space<semaphore_mem>>) src(%dma_wait3A_85 : memref<10240x64xf32, #tpu.memory_space<hbm>>) dst(%arg11 : memref<128x64xf32, #tpu.memory_space<vmem>>)
    %run_scoped3A_86 = arith.constant 158 : i32
    "tpu.region"() ({
      %run_scoped3A_105 = tpu.sem_alloc : memref<!tpu.dma_semaphore, #tpu.memory_space<semaphore_mem>>
      %dma_start3A_106 = arith.constant 0 : i32
      %dma_start3A_107 = tpu.memref_slice %arg8[%run_scoped3A_86, %dma_start3A_106] : memref<160x128xi32, #tpu.memory_space<vmem>> -> memref<1x128xi32, #tpu.memory_space<vmem>>
      %dma_start3A_108 = tpu.memref_squeeze %dma_start3A_107 : memref<1x128xi32, #tpu.memory_space<vmem>> -> memref<128xi32, #tpu.memory_space<vmem>>
      %dma_start3A_109 = arith.constant 0 : i32
      %dma_start3A_110 = arith.constant 0 : i32
      %dma_start3A_111 = tpu.memref_slice %arg13[%dma_start3A_109, %dma_start3A_110] : memref<10240x64xf32, #tpu.memory_space<vmem_shared>> -> memref<10240x64xf32, #tpu.memory_space<vmem_shared>>
      tpu.enqueue_indirect_dma source(%arg11 : memref<128x64xf32, #tpu.memory_space<vmem>>) target(%dma_start3A_111 : memref<10240x64xf32, #tpu.memory_space<vmem_shared>>) offsets(%dma_start3A_108 : memref<128xi32, #tpu.memory_space<vmem>>) semaphore(%run_scoped3A_105 : memref<!tpu.dma_semaphore, #tpu.memory_space<semaphore_mem>>) {add = true}
      %dma_wait3A_112 = arith.constant 0 : i32
      %dma_wait3A_113 = tpu.memref_slice %arg8[%run_scoped3A_86, %dma_wait3A_112] : memref<160x128xi32, #tpu.memory_space<vmem>> -> memref<1x128xi32, #tpu.memory_space<vmem>>
      %dma_wait3A_114 = tpu.memref_squeeze %dma_wait3A_113 : memref<1x128xi32, #tpu.memory_space<vmem>> -> memref<128xi32, #tpu.memory_space<vmem>>
      %dma_wait3A_115 = arith.constant 0 : i32
      %dma_wait3A_116 = arith.constant 0 : i32
      %dma_wait3A_117 = tpu.memref_slice %arg13[%dma_wait3A_115, %dma_wait3A_116] : memref<10240x64xf32, #tpu.memory_space<vmem_shared>> -> memref<10240x64xf32, #tpu.memory_space<vmem_shared>>
      tpu.wait_indirect_dma semaphore(%run_scoped3A_105 : memref<!tpu.dma_semaphore, #tpu.memory_space<semaphore_mem>>) src(%arg11 : memref<128x64xf32, #tpu.memory_space<vmem>>) dst(%dma_wait3A_117 : memref<10240x64xf32, #tpu.memory_space<vmem_shared>>)
      tpu.yield
    }) : () -> ()
    %dma_wait3A_87 = arith.constant 159 : i32
    %dma_wait3A_88 = arith.constant 0 : i32
    %dma_wait3A_89 = tpu.memref_slice %arg7[%dma_wait3A_87, %dma_wait3A_88] : memref<160x128xi32, #tpu.memory_space<vmem>> -> memref<1x128xi32, #tpu.memory_space<vmem>>
    %dma_wait3A_90 = tpu.memref_squeeze %dma_wait3A_89 : memref<1x128xi32, #tpu.memory_space<vmem>> -> memref<128xi32, #tpu.memory_space<vmem>>
    %dma_wait3A_91 = arith.constant 0 : i32
    %dma_wait3A_92 = arith.constant 0 : i32
    %dma_wait3A_93 = tpu.memref_slice %arg2[%arg0, %dma_wait3A_91, %dma_wait3A_92] : memref<2x10240x64xf32, #tpu.memory_space<hbm>> -> memref<1x10240x64xf32, #tpu.memory_space<hbm>>
    %dma_wait3A_94 = tpu.memref_squeeze %dma_wait3A_93 : memref<1x10240x64xf32, #tpu.memory_space<hbm>> -> memref<10240x64xf32, #tpu.memory_space<hbm>>
    %dma_wait3A_95 = arith.constant 0 : i32
    %dma_wait3A_96 = arith.constant 0 : i32
    %dma_wait3A_97 = tpu.memref_slice %dma_wait3A_94[%dma_wait3A_95, %dma_wait3A_96] : memref<10240x64xf32, #tpu.memory_space<hbm>> -> memref<10240x64xf32, #tpu.memory_space<hbm>>
    tpu.wait_indirect_dma semaphore(%arg17 : memref<!tpu.dma_semaphore, #tpu.memory_space<semaphore_mem>>) src(%dma_wait3A_97 : memref<10240x64xf32, #tpu.memory_space<hbm>>) dst(%arg12 : memref<128x64xf32, #tpu.memory_space<vmem>>)
    %run_scoped3A_98 = arith.constant 159 : i32
    "tpu.region"() ({
      %run_scoped3A_105 = tpu.sem_alloc : memref<!tpu.dma_semaphore, #tpu.memory_space<semaphore_mem>>
      %dma_start3A_106 = arith.constant 0 : i32
      %dma_start3A_107 = tpu.memref_slice %arg8[%run_scoped3A_98, %dma_start3A_106] : memref<160x128xi32, #tpu.memory_space<vmem>> -> memref<1x128xi32, #tpu.memory_space<vmem>>
      %dma_start3A_108 = tpu.memref_squeeze %dma_start3A_107 : memref<1x128xi32, #tpu.memory_space<vmem>> -> memref<128xi32, #tpu.memory_space<vmem>>
      %dma_start3A_109 = arith.constant 0 : i32
      %dma_start3A_110 = arith.constant 0 : i32
      %dma_start3A_111 = tpu.memref_slice %arg13[%dma_start3A_109, %dma_start3A_110] : memref<10240x64xf32, #tpu.memory_space<vmem_shared>> -> memref<10240x64xf32, #tpu.memory_space<vmem_shared>>
      tpu.enqueue_indirect_dma source(%arg12 : memref<128x64xf32, #tpu.memory_space<vmem>>) target(%dma_start3A_111 : memref<10240x64xf32, #tpu.memory_space<vmem_shared>>) offsets(%dma_start3A_108 : memref<128xi32, #tpu.memory_space<vmem>>) semaphore(%run_scoped3A_105 : memref<!tpu.dma_semaphore, #tpu.memory_space<semaphore_mem>>) {add = true}
      %dma_wait3A_112 = arith.constant 0 : i32
      %dma_wait3A_113 = tpu.memref_slice %arg8[%run_scoped3A_98, %dma_wait3A_112] : memref<160x128xi32, #tpu.memory_space<vmem>> -> memref<1x128xi32, #tpu.memory_space<vmem>>
      %dma_wait3A_114 = tpu.memref_squeeze %dma_wait3A_113 : memref<1x128xi32, #tpu.memory_space<vmem>> -> memref<128xi32, #tpu.memory_space<vmem>>
      %dma_wait3A_115 = arith.constant 0 : i32
      %dma_wait3A_116 = arith.constant 0 : i32
      %dma_wait3A_117 = tpu.memref_slice %arg13[%dma_wait3A_115, %dma_wait3A_116] : memref<10240x64xf32, #tpu.memory_space<vmem_shared>> -> memref<10240x64xf32, #tpu.memory_space<vmem_shared>>
      tpu.wait_indirect_dma semaphore(%run_scoped3A_105 : memref<!tpu.dma_semaphore, #tpu.memory_space<semaphore_mem>>) src(%arg12 : memref<128x64xf32, #tpu.memory_space<vmem>>) dst(%dma_wait3A_117 : memref<10240x64xf32, #tpu.memory_space<vmem_shared>>)
      tpu.yield
    }) : () -> ()
    %barrier3A_99 = arith.constant 0 : index
    tpu.barrier barrier_id(%barrier3A_99)
    %barrier3A_100 = arith.constant 0 : index
    tpu.barrier barrier_id(%barrier3A_100)
    %mul3A_101 = arith.constant 640 : i32
    %mul3A_102 = arith.muli %arg1, %mul3A_101 : i32
    %mul3A_103 = arith.constant 640 : i32
    %mul3A_104 = arith.muli %arg1, %mul3A_103 : i32
    "tpu.region"() ({
      %run_scoped3A_105 = tpu.sem_alloc : memref<!tpu.dma_semaphore, #tpu.memory_space<semaphore_mem>>
      %dma_start3A_106 = arith.constant 0 : i32
      %dma_start3A_107 = tpu.memref_slice %arg6[%arg0, %mul3A_104, %dma_start3A_106] : memref<2x10240x64xf32, #tpu.memory_space<hbm>> -> memref<1x640x64xf32, #tpu.memory_space<hbm>>
      %dma_start3A_108 = tpu.memref_squeeze %dma_start3A_107 : memref<1x640x64xf32, #tpu.memory_space<hbm>> -> memref<640x64xf32, #tpu.memory_space<hbm>>
      %dma_start3A_109 = arith.constant 0 : i32
      %dma_start3A_110 = tpu.memref_slice %arg13[%mul3A_102, %dma_start3A_109] : memref<10240x64xf32, #tpu.memory_space<vmem_shared>> -> memref<640x64xf32, #tpu.memory_space<vmem_shared>>
      tpu.enqueue_dma source(%dma_start3A_110 : memref<640x64xf32, #tpu.memory_space<vmem_shared>>) target(%dma_start3A_108 : memref<640x64xf32, #tpu.memory_space<hbm>>) target_semaphore(%run_scoped3A_105 : memref<!tpu.dma_semaphore, #tpu.memory_space<semaphore_mem>>)
      %dma_wait3A_111 = arith.constant 0 : i32
      %dma_wait3A_112 = tpu.memref_slice %arg6[%arg0, %mul3A_104, %dma_wait3A_111] : memref<2x10240x64xf32, #tpu.memory_space<hbm>> -> memref<1x640x64xf32, #tpu.memory_space<hbm>>
      %dma_wait3A_113 = tpu.memref_squeeze %dma_wait3A_112 : memref<1x640x64xf32, #tpu.memory_space<hbm>> -> memref<640x64xf32, #tpu.memory_space<hbm>>
      %dma_wait3A_114 = arith.constant 0 : i32
      %dma_wait3A_115 = tpu.memref_slice %arg13[%mul3A_102, %dma_wait3A_114] : memref<10240x64xf32, #tpu.memory_space<vmem_shared>> -> memref<640x64xf32, #tpu.memory_space<vmem_shared>>
      tpu.wait_dma2 semaphore(%run_scoped3A_105 : memref<!tpu.dma_semaphore, #tpu.memory_space<semaphore_mem>>) src(%dma_wait3A_115 : memref<640x64xf32, #tpu.memory_space<vmem_shared>>) dst(%dma_wait3A_113 : memref<640x64xf32, #tpu.memory_space<hbm>>)
      tpu.yield
    }) : () -> ()
    return
  }
}

module attributes {stable_mosaic.version = 14 : i64} {
  func.func @body(%arg0: i32, %arg1: memref<1024x128xf32, #tpu.memory_space<vmem>>, %arg2: memref<128x128xf32, #tpu.memory_space<vmem>>, %arg3: memref<32x1024xf32, #tpu.memory_space<vmem>>, %arg4: memref<2x1024x64xf32, #tpu.memory_space<vmem>>, %arg5: memref<1024x1xf32, #tpu.memory_space<vmem>>) attributes {dimension_semantics = [#tpu.dimension_semantics<arbitrary>], iteration_bounds = array<i64: 10>, scalar_prefetch = 0 : i64, scratch_operands = 0 : i64, tpu.core_type = #tpu.core_type<tc>, window_params = [{transform_indices = @transform_0, window_bounds = array<i64: 1024, 128>}, {pipeline_mode = #tpu.pipeline_mode<synchronous>, transform_indices = @transform_1, window_bounds = array<i64: 128, 128>}, {transform_indices = @transform_2, window_bounds = array<i64: 32, 1024>}, {transform_indices = @transform_3, window_bounds = array<i64: 2, 1024, 64>}, {transform_indices = @transform_4, window_bounds = array<i64: 1024, 1>}]} {
    %get3A = arith.constant 0 : index
    %get3A_0 = arith.constant 0 : index
    %get3A_1 = vector.load %arg3[%get3A, %get3A_0] : memref<32x1024xf32, #tpu.memory_space<vmem>>, vector<32x1024xf32>
    %reduce_sum3A = arith.constant dense<0.000000e+00> : vector<1024xf32>
    %reduce_sum3A_2 = vector.multi_reduction <add>, %get3A_1, %reduce_sum3A [0] : vector<32x1024xf32> to vector<1024xf32>
    %add3A = arith.constant 1.000000e+00 : f32
    %add3A_3 = vector.broadcast %add3A : f32 to vector<1024xf32>
    %add3A_4 = arith.addf %reduce_sum3A_2, %add3A_3 : vector<1024xf32>
    %rsqrt3A = math.rsqrt %add3A_4 : vector<1024xf32>
    %broadcast_in_dim3A = vector.shape_cast %rsqrt3A : vector<1024xf32> to vector<1024x1xf32>
    %get3A_5 = arith.constant 0 : index
    %get3A_6 = arith.constant 0 : index
    %get3A_7 = vector.load %arg1[%get3A_5, %get3A_6] : memref<1024x128xf32, #tpu.memory_space<vmem>>, vector<1024x128xf32>
    %get3A_8 = arith.constant 0 : index
    %get3A_9 = arith.constant 0 : index
    %get3A_10 = vector.load %arg2[%get3A_8, %get3A_9] : memref<128x128xf32, #tpu.memory_space<vmem>>, vector<128x128xf32>
    %dot_general3A = arith.constant dense<0.000000e+00> : vector<1024x128xf32>
    %dot_general3A_11 = tpu.matmul %get3A_7, %get3A_10, %dot_general3A {dimension_numbers = #tpu.dot_dimension_numbers<[1], [0], [0], [1], [0, 0, 1, 1], [], []>, transpose_lhs_hint = false} : vector<1024x128xf32>, vector<128x128xf32>, vector<1024x128xf32> -> vector<1024x128xf32>
    %mul3A = vector.broadcast %broadcast_in_dim3A : vector<1024x1xf32> to vector<1024x128xf32>
    %mul3A_12 = arith.mulf %dot_general3A_11, %mul3A : vector<1024x128xf32>
    %slice3A = vector.extract_strided_slice %mul3A_12 {offsets = [0, 0], sizes = [1024, 64], strides = [1, 1]} : vector<1024x128xf32> to vector<1024x64xf32>
    %slice3A_13 = vector.extract_strided_slice %mul3A_12 {offsets = [0, 64], sizes = [1024, 64], strides = [1, 1]} : vector<1024x128xf32> to vector<1024x64xf32>
    %stack3A = vector.shape_cast %slice3A : vector<1024x64xf32> to vector<1x1024x64xf32>
    %stack3A_14 = vector.shape_cast %slice3A_13 : vector<1024x64xf32> to vector<1x1024x64xf32>
    %stack3A_15 = tpu.concatenate %stack3A, %stack3A_14 in 0 : vector<1x1024x64xf32>, vector<1x1024x64xf32> -> vector<2x1024x64xf32>
    %swap3A = arith.constant 0 : index
    %swap3A_16 = arith.constant 0 : index
    %swap3A_17 = arith.constant 0 : index
    %swap3A_18 = vector.load %arg4[%swap3A, %swap3A_16, %swap3A_17] : memref<2x1024x64xf32, #tpu.memory_space<vmem>>, vector<2x1024x64xf32>
    tpu.vector_store %arg4[%swap3A, %swap3A_16, %swap3A_17], %stack3A_15 {strides = array<i32>} : memref<2x1024x64xf32, #tpu.memory_space<vmem>>, vector<2x1024x64xf32>,
    %swap3A_19 = arith.constant 0 : index
    %swap3A_20 = arith.constant 0 : index
    %swap3A_21 = vector.load %arg5[%swap3A_19, %swap3A_20] : memref<1024x1xf32, #tpu.memory_space<vmem>>, vector<1024x1xf32>
    tpu.vector_store %arg5[%swap3A_19, %swap3A_20], %broadcast_in_dim3A {strides = array<i32>} : memref<1024x1xf32, #tpu.memory_space<vmem>>, vector<1024x1xf32>,
    return
  }
  func.func @transform_0(%arg0: i32) -> (i32, i32) {
    %c0_i32 = arith.constant 0 : i32
    %c0_i32_0 = arith.constant 0 : i32
    return %arg0, %c0_i32 : i32, i32
  }
  func.func @transform_1(%arg0: i32) -> (i32, i32) {
    %c0_i32 = arith.constant 0 : i32
    %c0_i32_0 = arith.constant 0 : i32
    %c0_i32_1 = arith.constant 0 : i32
    return %c0_i32, %c0_i32_0 : i32, i32
  }
  func.func @transform_2(%arg0: i32) -> (i32, i32) {
    %c0_i32 = arith.constant 0 : i32
    %c0_i32_0 = arith.constant 0 : i32
    return %c0_i32, %arg0 : i32, i32
  }
  func.func @transform_3(%arg0: i32) -> (i32, i32, i32) {
    %c0_i32 = arith.constant 0 : i32
    %c0_i32_0 = arith.constant 0 : i32
    %c0_i32_1 = arith.constant 0 : i32
    return %c0_i32, %arg0, %c0_i32_0 : i32, i32, i32
  }
  func.func @transform_4(%arg0: i32) -> (i32, i32) {
    %c0_i32 = arith.constant 0 : i32
    %c0_i32_0 = arith.constant 0 : i32
    return %arg0, %c0_i32 : i32, i32
  }
}

module attributes {stable_mosaic.version = 14 : i64} {
  func.func @body(%arg0: i32, %arg1: memref<2x1024x64xf32, #tpu.memory_space<vmem>>, %arg2: memref<2x1024x64xf32, #tpu.memory_space<vmem>>, %arg3: memref<1024x1xf32, #tpu.memory_space<vmem>>, %arg4: memref<128xf32, #tpu.memory_space<vmem>>, %arg5: memref<128x128xf32, #tpu.memory_space<vmem>>, %arg6: memref<2x1024x64xf32, #tpu.memory_space<vmem>>) attributes {dimension_semantics = [#tpu.dimension_semantics<arbitrary>], iteration_bounds = array<i64: 10>, scalar_prefetch = 0 : i64, scratch_operands = 0 : i64, tpu.core_type = #tpu.core_type<tc>, window_params = [{transform_indices = @transform_0, window_bounds = array<i64: 2, 1024, 64>}, {transform_indices = @transform_1, window_bounds = array<i64: 2, 1024, 64>}, {transform_indices = @transform_2, window_bounds = array<i64: 1024, 1>}, {pipeline_mode = #tpu.pipeline_mode<synchronous>, transform_indices = @transform_3, window_bounds = array<i64: 128>}, {pipeline_mode = #tpu.pipeline_mode<synchronous>, transform_indices = @transform_4, window_bounds = array<i64: 128, 128>}, {transform_indices = @transform_5, window_bounds = array<i64: 2, 1024, 64>}]} {
    %get3A = arith.constant 0 : index
    %get3A_0 = arith.constant 0 : index
    %get3A_1 = arith.constant 0 : index
    %get3A_2 = vector.load %arg1[%get3A, %get3A_0, %get3A_1] : memref<2x1024x64xf32, #tpu.memory_space<vmem>>, vector<1x1024x64xf32>
    %get3A_3 = vector.shape_cast %get3A_2 : vector<1x1024x64xf32> to vector<1024x64xf32>
    %get3A_4 = arith.constant 0 : index
    %get3A_5 = arith.constant 0 : index
    %get3A_6 = arith.constant 0 : index
    %get3A_7 = vector.load %arg2[%get3A_4, %get3A_5, %get3A_6] : memref<2x1024x64xf32, #tpu.memory_space<vmem>>, vector<1x1024x64xf32>
    %get3A_8 = vector.shape_cast %get3A_7 : vector<1x1024x64xf32> to vector<1024x64xf32>
    %add3A = arith.addf %get3A_3, %get3A_8 : vector<1024x64xf32>
    %get3A_9 = arith.constant 1 : index
    %get3A_10 = arith.constant 0 : index
    %get3A_11 = arith.constant 0 : index
    %get3A_12 = vector.load %arg1[%get3A_9, %get3A_10, %get3A_11] : memref<2x1024x64xf32, #tpu.memory_space<vmem>>, vector<1x1024x64xf32>
    %get3A_13 = vector.shape_cast %get3A_12 : vector<1x1024x64xf32> to vector<1024x64xf32>
    %get3A_14 = arith.constant 1 : index
    %get3A_15 = arith.constant 0 : index
    %get3A_16 = arith.constant 0 : index
    %get3A_17 = vector.load %arg2[%get3A_14, %get3A_15, %get3A_16] : memref<2x1024x64xf32, #tpu.memory_space<vmem>>, vector<1x1024x64xf32>
    %get3A_18 = vector.shape_cast %get3A_17 : vector<1x1024x64xf32> to vector<1024x64xf32>
    %add3A_19 = arith.addf %get3A_13, %get3A_18 : vector<1024x64xf32>
    %concatenate3A = tpu.concatenate %add3A, %add3A_19 in 1 : vector<1024x64xf32>, vector<1024x64xf32> -> vector<1024x128xf32>
    %get3A_20 = arith.constant 0 : index
    %get3A_21 = arith.constant 0 : index
    %get3A_22 = vector.load %arg3[%get3A_20, %get3A_21] : memref<1024x1xf32, #tpu.memory_space<vmem>>, vector<1024x1xf32>
    %mul3A = vector.broadcast %get3A_22 : vector<1024x1xf32> to vector<1024x128xf32>
    %mul3A_23 = arith.mulf %mul3A, %concatenate3A : vector<1024x128xf32>
    %get3A_24 = arith.constant 0 : index
    %get3A_25 = vector.load %arg4[%get3A_24] : memref<128xf32, #tpu.memory_space<vmem>>, vector<128xf32>
    %broadcast_in_dim3A = vector.shape_cast %get3A_25 : vector<128xf32> to vector<1x128xf32>
    %add3A_26 = vector.broadcast %broadcast_in_dim3A : vector<1x128xf32> to vector<1024x128xf32>
    %add3A_27 = arith.addf %mul3A_23, %add3A_26 : vector<1024x128xf32>
    %max3A = arith.constant 0.000000e+00 : f32
    %max3A_28 = vector.broadcast %max3A : f32 to vector<1024x128xf32>
    %max3A_29 = arith.maximumf %add3A_27, %max3A_28 : vector<1024x128xf32>
    %get3A_30 = arith.constant 0 : index
    %get3A_31 = arith.constant 0 : index
    %get3A_32 = vector.load %arg5[%get3A_30, %get3A_31] : memref<128x128xf32, #tpu.memory_space<vmem>>, vector<128x128xf32>
    %dot_general3A = arith.constant dense<0.000000e+00> : vector<1024x128xf32>
    %dot_general3A_33 = tpu.matmul %max3A_29, %get3A_32, %dot_general3A {dimension_numbers = #tpu.dot_dimension_numbers<[1], [0], [0], [1], [0, 0, 1, 1], [], []>, transpose_lhs_hint = false} : vector<1024x128xf32>, vector<128x128xf32>, vector<1024x128xf32> -> vector<1024x128xf32>
    %get3A_34 = arith.constant 0 : index
    %get3A_35 = arith.constant 0 : index
    %get3A_36 = vector.load %arg3[%get3A_34, %get3A_35] : memref<1024x1xf32, #tpu.memory_space<vmem>>, vector<1024x1xf32>
    %mul3A_37 = vector.broadcast %get3A_36 : vector<1024x1xf32> to vector<1024x128xf32>
    %mul3A_38 = arith.mulf %dot_general3A_33, %mul3A_37 : vector<1024x128xf32>
    %slice3A = vector.extract_strided_slice %mul3A_38 {offsets = [0, 0], sizes = [1024, 64], strides = [1, 1]} : vector<1024x128xf32> to vector<1024x64xf32>
    %slice3A_39 = vector.extract_strided_slice %mul3A_38 {offsets = [0, 64], sizes = [1024, 64], strides = [1, 1]} : vector<1024x128xf32> to vector<1024x64xf32>
    %stack3A = vector.shape_cast %slice3A : vector<1024x64xf32> to vector<1x1024x64xf32>
    %stack3A_40 = vector.shape_cast %slice3A_39 : vector<1024x64xf32> to vector<1x1024x64xf32>
    %stack3A_41 = tpu.concatenate %stack3A, %stack3A_40 in 0 : vector<1x1024x64xf32>, vector<1x1024x64xf32> -> vector<2x1024x64xf32>
    %swap3A = arith.constant 0 : index
    %swap3A_42 = arith.constant 0 : index
    %swap3A_43 = arith.constant 0 : index
    %swap3A_44 = vector.load %arg6[%swap3A, %swap3A_42, %swap3A_43] : memref<2x1024x64xf32, #tpu.memory_space<vmem>>, vector<2x1024x64xf32>
    tpu.vector_store %arg6[%swap3A, %swap3A_42, %swap3A_43], %stack3A_41 {strides = array<i32>} : memref<2x1024x64xf32, #tpu.memory_space<vmem>>, vector<2x1024x64xf32>,
    return
  }
  func.func @transform_0(%arg0: i32) -> (i32, i32, i32) {
    %c0_i32 = arith.constant 0 : i32
    %c0_i32_0 = arith.constant 0 : i32
    %c0_i32_1 = arith.constant 0 : i32
    return %c0_i32, %arg0, %c0_i32_0 : i32, i32, i32
  }
  func.func @transform_1(%arg0: i32) -> (i32, i32, i32) {
    %c0_i32 = arith.constant 0 : i32
    %c0_i32_0 = arith.constant 0 : i32
    %c0_i32_1 = arith.constant 0 : i32
    return %c0_i32, %arg0, %c0_i32_0 : i32, i32, i32
  }
  func.func @transform_2(%arg0: i32) -> (i32, i32) {
    %c0_i32 = arith.constant 0 : i32
    %c0_i32_0 = arith.constant 0 : i32
    return %arg0, %c0_i32 : i32, i32
  }
  func.func @transform_3(%arg0: i32) -> i32 {
    %c0_i32 = arith.constant 0 : i32
    %c0_i32_0 = arith.constant 0 : i32
    return %c0_i32 : i32
  }
  func.func @transform_4(%arg0: i32) -> (i32, i32) {
    %c0_i32 = arith.constant 0 : i32
    %c0_i32_0 = arith.constant 0 : i32
    %c0_i32_1 = arith.constant 0 : i32
    return %c0_i32, %c0_i32_0 : i32, i32
  }
  func.func @transform_5(%arg0: i32) -> (i32, i32, i32) {
    %c0_i32 = arith.constant 0 : i32
    %c0_i32_0 = arith.constant 0 : i32
    %c0_i32_1 = arith.constant 0 : i32
    return %c0_i32, %arg0, %c0_i32_0 : i32, i32, i32
  }
}

module attributes {stable_mosaic.version = 14 : i64} {
  func.func @body(%arg0: i32, %arg1: memref<2x1024x64xf32, #tpu.memory_space<vmem>>, %arg2: memref<2x1024x64xf32, #tpu.memory_space<vmem>>, %arg3: memref<1024x1xf32, #tpu.memory_space<vmem>>, %arg4: memref<128xf32, #tpu.memory_space<vmem>>, %arg5: memref<1024x128xf32, #tpu.memory_space<vmem>>) attributes {dimension_semantics = [#tpu.dimension_semantics<arbitrary>], iteration_bounds = array<i64: 10>, scalar_prefetch = 0 : i64, scratch_operands = 0 : i64, tpu.core_type = #tpu.core_type<tc>, window_params = [{transform_indices = @transform_0, window_bounds = array<i64: 2, 1024, 64>}, {transform_indices = @transform_1, window_bounds = array<i64: 2, 1024, 64>}, {transform_indices = @transform_2, window_bounds = array<i64: 1024, 1>}, {pipeline_mode = #tpu.pipeline_mode<synchronous>, transform_indices = @transform_3, window_bounds = array<i64: 128>}, {transform_indices = @transform_4, window_bounds = array<i64: 1024, 128>}]} {
    %get3A = arith.constant 0 : index
    %get3A_0 = arith.constant 0 : index
    %get3A_1 = arith.constant 0 : index
    %get3A_2 = vector.load %arg1[%get3A, %get3A_0, %get3A_1] : memref<2x1024x64xf32, #tpu.memory_space<vmem>>, vector<1x1024x64xf32>
    %get3A_3 = vector.shape_cast %get3A_2 : vector<1x1024x64xf32> to vector<1024x64xf32>
    %get3A_4 = arith.constant 0 : index
    %get3A_5 = arith.constant 0 : index
    %get3A_6 = arith.constant 0 : index
    %get3A_7 = vector.load %arg2[%get3A_4, %get3A_5, %get3A_6] : memref<2x1024x64xf32, #tpu.memory_space<vmem>>, vector<1x1024x64xf32>
    %get3A_8 = vector.shape_cast %get3A_7 : vector<1x1024x64xf32> to vector<1024x64xf32>
    %add3A = arith.addf %get3A_3, %get3A_8 : vector<1024x64xf32>
    %get3A_9 = arith.constant 1 : index
    %get3A_10 = arith.constant 0 : index
    %get3A_11 = arith.constant 0 : index
    %get3A_12 = vector.load %arg1[%get3A_9, %get3A_10, %get3A_11] : memref<2x1024x64xf32, #tpu.memory_space<vmem>>, vector<1x1024x64xf32>
    %get3A_13 = vector.shape_cast %get3A_12 : vector<1x1024x64xf32> to vector<1024x64xf32>
    %get3A_14 = arith.constant 1 : index
    %get3A_15 = arith.constant 0 : index
    %get3A_16 = arith.constant 0 : index
    %get3A_17 = vector.load %arg2[%get3A_14, %get3A_15, %get3A_16] : memref<2x1024x64xf32, #tpu.memory_space<vmem>>, vector<1x1024x64xf32>
    %get3A_18 = vector.shape_cast %get3A_17 : vector<1x1024x64xf32> to vector<1024x64xf32>
    %add3A_19 = arith.addf %get3A_13, %get3A_18 : vector<1024x64xf32>
    %concatenate3A = tpu.concatenate %add3A, %add3A_19 in 1 : vector<1024x64xf32>, vector<1024x64xf32> -> vector<1024x128xf32>
    %get3A_20 = arith.constant 0 : index
    %get3A_21 = arith.constant 0 : index
    %get3A_22 = vector.load %arg3[%get3A_20, %get3A_21] : memref<1024x1xf32, #tpu.memory_space<vmem>>, vector<1024x1xf32>
    %mul3A = vector.broadcast %get3A_22 : vector<1024x1xf32> to vector<1024x128xf32>
    %mul3A_23 = arith.mulf %mul3A, %concatenate3A : vector<1024x128xf32>
    %get3A_24 = arith.constant 0 : index
    %get3A_25 = vector.load %arg4[%get3A_24] : memref<128xf32, #tpu.memory_space<vmem>>, vector<128xf32>
    %broadcast_in_dim3A = vector.shape_cast %get3A_25 : vector<128xf32> to vector<1x128xf32>
    %add3A_26 = vector.broadcast %broadcast_in_dim3A : vector<1x128xf32> to vector<1024x128xf32>
    %add3A_27 = arith.addf %mul3A_23, %add3A_26 : vector<1024x128xf32>
    %swap3A = arith.constant 0 : index
    %swap3A_28 = arith.constant 0 : index
    %swap3A_29 = vector.load %arg5[%swap3A, %swap3A_28] : memref<1024x128xf32, #tpu.memory_space<vmem>>, vector<1024x128xf32>
    tpu.vector_store %arg5[%swap3A, %swap3A_28], %add3A_27 {strides = array<i32>} : memref<1024x128xf32, #tpu.memory_space<vmem>>, vector<1024x128xf32>,
    return
  }
  func.func @transform_0(%arg0: i32) -> (i32, i32, i32) {
    %c0_i32 = arith.constant 0 : i32
    %c0_i32_0 = arith.constant 0 : i32
    %c0_i32_1 = arith.constant 0 : i32
    return %c0_i32, %arg0, %c0_i32_0 : i32, i32, i32
  }
  func.func @transform_1(%arg0: i32) -> (i32, i32, i32) {
    %c0_i32 = arith.constant 0 : i32
    %c0_i32_0 = arith.constant 0 : i32
    %c0_i32_1 = arith.constant 0 : i32
    return %c0_i32, %arg0, %c0_i32_0 : i32, i32, i32
  }
  func.func @transform_2(%arg0: i32) -> (i32, i32) {
    %c0_i32 = arith.constant 0 : i32
    %c0_i32_0 = arith.constant 0 : i32
    return %arg0, %c0_i32 : i32, i32
  }
  func.func @transform_3(%arg0: i32) -> i32 {
    %c0_i32 = arith.constant 0 : i32
    %c0_i32_0 = arith.constant 0 : i32
    return %c0_i32 : i32
  }
  func.func @transform_4(%arg0: i32) -> (i32, i32) {
    %c0_i32 = arith.constant 0 : i32
    %c0_i32_0 = arith.constant 0 : i32
    return %arg0, %c0_i32 : i32, i32
  }
}

</mosaic_0001>

<sc_bundles>
// kernel: kernel.11.cloned.1.call-start
scs
__scs_entry_jumppad:
0x0: {  	(pc) =	sbr.rel $0x88, $3  }
0x1: {  	(tag) =	ssettag $0x0;
	lr =	simm.s32 $0x1  }
0x2: {  	[smem:$0x3F9B] =	sst lr;
	_ =	strace $0xD0000000  }
0x3: {  	_ = 	snop  }
0x4: {  	_ = 	snop  }
0x5: {  	_ = 	snop  }
0x6: {  	_ = 	snop  }
0x7: {  	_ = 	snop  }
__scs_overlays_trampoline_lowered:
0x8: {  	[smem:$0x3FAA] =	sst s0  }
0x9: {  	[smem:$0x3FAB] =	sst s1  }
0xa: {  	[smem:$0x3FAC] =	sst s2  }
0xb: {  	[smem:$0x3FAD] =	sst s3  }
0xc: {  	[smem:$0x3FAE] =	sst s4  }
0xd: {  	[smem:$0x3FAF] =	sst s5  }
0xe: {  	[smem:$0x3FB0] =	sst s6  }
0xf: {  	[smem:$0x3FB1] =	sst s7  }
0x10: {  	[smem:$0x3FB2] =	sst s8  }
0x11: {  	[smem:$0x3FB3] =	sst s9;
	s0 =	simm.s32 @!p0 $0x0  }
0x12: {  	s1 =	sld [smem:$0x3F99];
	s0 =	simm.s32 @p0 $0x1  }
0x13: {  	[smem:$0x3FB4] =	sst s0;
	s0 =	simm.s32 @!p1 $0x0  }
0x14: {  	s2 =	sld [smem:$0x3F98];
	s0 =	simm.s32 @p1 $0x1  }
0x15: {  	[smem:$0x3FB5] =	sst s0;
	s0 =	simm.s32 @!p2 $0x0  }
0x16: {  	s3 =	sld [smem:$0x3FDB];
	s0 =	simm.s32 @p2 $0x1  }
0x17: {  	s4 =	simm.s32 $0x1BF5;
	[smem:$0x3FB7] =	sst s0  }
0x18: {  	s0 =	sld [smem:$0x3F9A];
	_ =	swait.ge [sflag:s4], $0x0  }
0x19: {  	s7 =	sld [smem:$0x3F9B]  }
0x1a: {  	s8 =	sadd.s32 $0xFFFFE003, lr  }
0x1b: {  	s9 =	sadd.s32 $0xFFFFFEF7, lr;
	s5 =	simm.s32 $0xFFFFFFFF;
	p2 =	slt.u32 s8, $0xFFFFF086  }
0x1c: {  	p1 =	slt.u32 s9, $0xF7A;
	s5 =	simm.s32 @!p2 $0x0  }
0x1d: {  	s5 =	simm.s32 @p1 $0x1;
	p0 =	seq.s32 s7, s2  }
0x1e: {  	s7 =	smul.u32 @!p0 $0xF7A, s2;
	p2 =	seq.s32 @!p0 s5, $0x0  }
0x1f: {  	s9 =	smul.u32 $0xF7A, s1;
	s8 =	simm.s32 @!p0 $0x1BF5;
	p2 =	por !p2, p0  }
0x20: {  	[sflag:s8] =	ssyncset.s32 @!p0 $0xFFFFF086;
	s6 =	sadd.s32 @!p0 s3, s7;
	s7 =	simm.s32 @!p0 $0x108  }
0x21: {  	s3 =	sadd.s32 s3, s9;
	s6 =	sadd.s32 @!p0 $0x88, s6;
	s7 =	simm.s32 @p2 $0x1082  }
0x22: {  	[simem:s7], [sflag:s8] =	dma.local @!p0 [hbm:s6], $0xF7A  }
0x23: {  	s9 =	sor.u32 $0xD0000000, s2;
	s6 =	simm.s32 $0x108;
	_ =	swait.ge @!p0 [sflag:s8], $0x0  }
0x24: {  	s3 =	sadd.s32 $0x88, s3;
	s6 =	simm.s32 @!p1 $0x1082;
	[sflag:s4] =	ssyncset.s32 $0xFFFFF086  }
0x25: {  	[simem:s6], [sflag:s4] =	dma.local [hbm:s3], $0xF7A  }
0x26: {  	[smem:$0x3F9B] =	sst s1;
	(tag) =	ssettag s2;
	_ =	strace s9  }
0x27: {  	s1 =	sld [smem:$0x3FAB]  }
0x28: {  	s2 =	sld [smem:$0x3FAC]  }
0x29: {  	s4 =	sld [smem:$0x3FAE]  }
0x2a: {  	p0 =	seq.s32 s5, $0x0;
	s5 =	sld [smem:$0x3FAF]  }
0x2b: {  	s6 =	sld [smem:$0x3FB0]  }
0x2c: {  	s7 =	sld [smem:$0x3FB1]  }
0x2d: {  	s3 =	simm.s32 $0x108;
	s8 =	sld [smem:$0x3FB2]  }
0x2e: {  	s3 =	simm.s32 @!p0 $0x1082;
	s9 =	sld [smem:$0x3FB3]  }
0x2f: {  	lr =	sadd.s32 s0, s3;
	s0 =	sld [smem:$0x3FAA]  }
0x30: {  	s3 =	sld [smem:$0x3FAD]  }
0x31: {  	[smem:$0x3FB6] =	sst s10  }
0x32: {  	s10 =	sld [smem:$0x3FB4];
	_ =	sdelay $0x3  }
0x33: {  	p0 =	seq.s32 s10, $0x1;
	s10 =	sld [smem:$0x3FB6];
	_ =	sdelay $0x3  }
0x34: {  	[smem:$0x3FB6] =	sst s10  }
0x35: {  	s10 =	sld [smem:$0x3FB5];
	_ =	sdelay $0x3  }
0x36: {  	p1 =	seq.s32 s10, $0x1;
	s10 =	sld [smem:$0x3FB6];
	_ =	sdelay $0x3  }
0x37: {  	[smem:$0x3FB6] =	sst s10  }
0x38: {  	s10 =	sld [smem:$0x3FB7]  }
0x39: {  	_ = 	snop;
	(pc) =	sbr.ind lr, $3  }
0x3a: {  	_ = 	snop  }
0x3b: {  	_ = 	snop  }
0x3c: {  	p2 =	seq.s32 s10, $0x1;
	s10 =	sld [smem:$0x3FB6]  }
0x3d: {  	_ =	shalt  }
0x3e: {  	_ =	shalt  }
0x3f: {  	_ =	shalt  }
0x40: {  	_ =	shalt  }
0x41: {  	_ =	shalt  }
0x42: {  	_ =	shalt  }
0x43: {  	_ =	shalt  }
0x44: {  	_ =	shalt  }
0x45: {  	_ =	shalt  }
0x46: {  	_ =	shalt  }
0x47: {  	_ =	shalt  }
0x48: {  	_ =	shalt  }
0x49: {  	_ =	shalt  }
0x4a: {  	_ =	shalt  }
0x4b: {  	_ =	shalt  }
0x4c: {  	_ =	shalt  }
0x4d: {  	_ =	shalt  }
0x4e: {  	_ =	shalt  }
0x4f: {  	_ =	shalt  }
0x50: {  	_ =	shalt  }
0x51: {  	_ =	shalt  }
0x52: {  	_ =	shalt  }
0x53: {  	_ =	shalt  }
0x54: {  	_ =	shalt  }
0x55: {  	_ =	shalt  }
0x56: {  	_ =	shalt  }
0x57: {  	_ =	shalt  }
0x58: {  	_ =	shalt  }
0x59: {  	_ =	shalt  }
0x5a: {  	_ =	shalt  }
0x5b: {  	_ =	shalt  }
0x5c: {  	_ =	shalt  }
0x5d: {  	_ =	shalt  }
0x5e: {  	_ =	shalt  }
0x5f: {  	_ =	shalt  }
0x60: {  	_ =	shalt  }
0x61: {  	_ =	shalt  }
0x62: {  	_ =	shalt  }
0x63: {  	_ =	shalt  }
0x64: {  	_ =	shalt  }
0x65: {  	_ =	shalt  }
0x66: {  	_ =	shalt  }
0x67: {  	_ =	shalt  }
0x68: {  	_ =	shalt  }
0x69: {  	_ =	shalt  }
0x6a: {  	_ =	shalt  }
0x6b: {  	_ =	shalt  }
0x6c: {  	_ =	shalt  }
0x6d: {  	_ =	shalt  }
0x6e: {  	_ =	shalt  }
0x6f: {  	_ =	shalt  }
0x70: {  	_ =	shalt  }
0x71: {  	_ =	shalt  }
0x72: {  	_ =	shalt  }
0x73: {  	_ =	shalt  }
0x74: {  	_ =	shalt  }
0x75: {  	_ =	shalt  }
0x76: {  	_ =	shalt  }
0x77: {  	_ =	shalt  }
0x78: {  	_ =	shalt  }
0x79: {  	_ =	shalt  }
0x7a: {  	_ =	shalt  }
0x7b: {  	_ =	shalt  }
0x7c: {  	_ =	shalt  }
0x7d: {  	_ =	shalt  }
0x7e: {  	_ =	shalt  }
0x7f: {  	_ =	shalt  }
0x80: {  	_ =	shalt  }
0x81: {  	_ =	shalt  }
0x82: {  	_ =	shalt  }
0x83: {  	_ =	shalt  }
0x84: {  	_ =	shalt  }
0x85: {  	_ =	shalt  }
0x86: {  	_ =	shalt  }
0x87: {  	_ =	shalt  }
.Lfunc_end0:
.L_simem_size_0:
called_computation.1_lowered:
.L_overlay_start_0:
0x88: {  	s2 =	sld [smem:$0x3FD9]  }
0x89: {  	s3 =	sld [smem:$0x3FFE];
	_ =	sdelay $0x1  }
0x8a: {  	s1 =	srdreg.scid  }
0x8b: {  	s0 =	sand.u32 $0x1, s1  }
0x8c: {  	s17 =	sshll.u32 s0, $0xA;
	s2 =	sadd.s32 s3, s2  }
0x8d: {  	s2 =	sadd.s32 s2, s17  }
0x8e: {  	[smem:$0x3FC2] =	sst s2  }
0x8f: {  	_ = 	snop  }
0x90: {  	s2 =	sld [smem:$0x3FD0];
	(tm) =	ssettm $0x1  }
0x91: {  	s18 =	sld [smem:$0x3FFB];
	_ =	sdelay $0x3  }
0x92: {  	_ =	strace s18  }
0x93: {  	s3 =	sld [smem:$0x3FFC];
	_ =	sdelay $0x3  }
0x94: {  	_ =	strace s3  }
0x95: {  	s3 =	sld [smem:$0x3FFD];
	_ =	sdelay $0x3  }
0x96: {  	_ =	strace s3  }
0x97: {  	_ =	strace $0x8FFFFFFF  }
0x98: {  	s19 =	sld [smem:$0x3FDB];
	_ =	sdelay $0x1  }
0x99: {  	s4 =	simm.s32 $_scs_section_size  }
0x9a: {  	s5 =	simm.s32 $_size__tile_overlayer_lowered;
	s6 =	simm.s32 $_tile_overlayer_lowered  }
0x9b: {  	s22 =	simm.s32 $0x1BFF;
	s21 =	sshll.u32 s6, $0x1;
	s3 =	sadd.s32 s4, s19  }
0x9c: {  	s7 =	simm.s32 $0x0;
	s20 =	sshll.u32 s5, $0x1;
	s5 =	sadd.s32 s21, s3  }
0x9d: {  	[timem:s7], [sflag:s22] =	dma.local [hbm:s5], s20  }
0x9e: {  	_ =	swait.ge [sflag:s22], s20  }
0x9f: {  	s4 =	ssub.s32 $0x0, s20;
	[sflag:s22] =	ssyncset.done $0x0  }
0xa0: {  	[sflag:s22] =	ssyncadd.s32 s4;
	_ =	sdelay $0x1  }
0xa1: {  	s23 =	simm.s32 $0x1B8B  }
0xa2: {  	_ =	swait.ge [sflag:s23], $0x1  }
0xa3: {  	[sflag:s23] =	ssyncset.done $0x0  }
0xa4: {  	s25 =	simm.s32 $0x1B8E;
	s24 =	sld [smem:$0x3FFE];
	[sflag:s23] =	ssyncadd.s32 $0xFFFFFFFF  }
0xa5: {  	s26 =	simm.s32 $execute0_lowered;
	[smem:$0x3FD2] =	sst s25  }
0xa6: {  	s5 =	sshll.u32 s26, $0x1;
	_ =	strace $0x80000049;
	[dreg:$0x1] =	wrdreg $0xFFFFFFFF  }
0xa7: {  	s28 =	simm.s32 $_size_execute0_lowered;
	s3 =	sadd.s32 s3, s5;
	[dreg:$0x0] =	wrdreg $0x0  }
0xa8: {  	s5 =	sshll.u32 s28, $0x1;
	[dreg:$0x2] =	wrdreg s3  }
0xa9: {  	[dreg:$0x3] =	wrdreg s5  }
0xaa: {  	[dreg:$0x4] =	wrdreg $0xC0  }
0xab: {  	_ =	task [dreg:s7], $0x5FFFF  }
0xac: {  	[dreg:$0x1] =	wrdreg $0xFFFFFFFF  }
0xad: {  	[dreg:$0x0] =	wrdreg $0x60  }
0xae: {  	[dreg:$0x2] =	wrdreg s24  }
0xaf: {  	[dreg:$0x3] =	wrdreg s2  }
0xb0: {  	[dreg:$0x4] =	wrdreg $0x120000  }
0xb1: {  	[dreg:$0x5] =	wrdreg $0x9  }
0xb2: {  	_ =	task.clear_ibuf [dreg:s7], $0x6FFFF;
	_ =	strace $0x90000049  }
0xb3: {  	s29 =	simm.s32 $0x9;
	_ =	strace $0x8000004B  }
0xb4: {  	_ =	swait.ge [sflag:s29], $0x1  }
0xb5: {  	[sflag:s29] =	ssyncadd.s32 $0xFFFFFFFF  }
0xb6: {  	_ =	strace $0x9000004B  }
0xb7: {  	_ =	sfence  }
0xb8: {  	s30 =	sld [smem:$0x0];
	_ =	sdelay $0x2  }
0xb9: {  	s31 =	sshll.u32 s1, $0xD;
	s1 =	sshrl.u32 s1, $0x2  }
0xba: {  	s3 =	sand.u32 $0x4000, s31;
	s1 =	sadd.s32 s1, s30  }
0xbb: {  	s0 =	sor.u32 s3, s0;
	s1 =	sshll.u32 s1, $0x11  }
0xbc: {  	s0 =	sor.u32 s1, s0  }
0xbd: {  	s0 =	sadd.s32 $0x8F2B, s0  }
0xbe: {  	[sflag:s0] =	ssyncadd.remote.s32 $0x1  }
0xbf: {  	_ =	sfence.sel $0xFFFF  }
0xc0: {  	[dreg:$0x0] =	wrdreg $0xFFFFFFFF;
	(pc) =	sbr.abs _section_cstart, $3  }
0xc1: {  	[dreg:$0x1] =	wrdreg $0xFFFFFFFF  }
0xc2: {  	_ =	task.clear_ibuf [dreg:s7], $0x2FFFF;
	_ =	strace $0x9FFFFFFF  }
0xc3: {  	(tm) =	ssettm $0x7FFFFFFF  }
tec
execute0_lowered:
.L_overlay_start_1:
0x0: {  	(tag) =	ssettag $0x1  }
0x1: {  	s0 =	rddreg [dreg:$0x0]  }
0x2: {  	s7 =	rddreg [dreg:$0x1]  }
0x3: {  	s1 =	srdreg.scid;
	s2 =	rddreg [dreg:$0x2]  }
0x4: {  	s26 =	stileid.u32;
	s3 =	simm.s32 $0x0;
	s14 =	simm.s32 $0x80  }
0x5: {  	s15 =	simm.s32 $0xA000;
	s16 =	simm.s32 $0xC000;
	s17 =	simm.s32 $0x100  }
0x6: {  	s18 =	simm.s32 $0xE000;
	s19 =	simm.s32 $0x180;
	s20 =	simm.s32 $0x10000  }
0x7: {  	s21 =	simm.s32 $0x1;
	s22 =	simm.s32 $0x2;
	s23 =	simm.s32 $0x3  }
0x8: {  	s24 =	simm.s32 $0x4;
	s25 =	simm.s32 $0x9E00;
	s28 =	simm.s32 $0x9F00  }
0x9: {  	s29 =	simm.s32 $0x9F80;
	s30 =	simm.s32 $0x0;
	s8 =	smul.u32 $0xA00, s26  }
0xa: {  	s5 =	sand.u32 $0x1, s1;
	[smem:$0x7FF] =	sst s3;
	s6 =	smul.u32 $0xA000, s26  }
0xb: {  	s12 =	sshll.u32 s26, $0x6;
	s26 =	simm.s32 $0x9E80;
	s4 =	smul.u32 $0xA0000, s5  }
0xc: {  	_ =	strace $0x8000004A;
	s5 =	ssub.s32 $0x2, s5;
	s10 =	sadd.s32 s8, s0  }
0xd: {  	s31 =	sshrl.u32 s5, $0x1;
	s13 =	sadd.s32 s6, s2;
	s7 =	sadd.s32 s7, s8  }
0xe: {  	s9 =	sshrl.u32 s4, $0x3;
	s11 =	sadd.s32 s6, s4;
	s4 =	sadd.s32 $0x2000, s0  }
0xf: {  	s6 =	sadd.s32 $0xC000, s10;
	s9 =	sadd.s32 s9, s0;
	s11 =	sshrl.u32 s11, $0x3  }
0x10: {  	s0 =	sadd.s32 s11, s0;
	s11 =	ssub.s32 s5, s31;
	s5 =	sor.u32 $0x1C05, s12  }
0x11: {  	s8 =	sadd.s32 $0x8E000, s9;
	s12 =	simm.s32 $0x5;
	s9 =	sadd.s32 $0xB6000, s0  }
0x12: {  	s10 =	smax.u32 s11, $0x1;
	s11 =	sshrl.u32 s13, $0x3;
	s13 =	simm.s32 $0x5000  }
.LBB2_1:
0x13: {  	[spmem:s11], [sflag:s5] =	dma.local [hbm:s4], $0x1400  }
0x14: {  	_ =	swait.ge [sflag:s12], $0x1400  }
0x15: {  	[sflag:s12] =	ssyncset.done $0x0  }
0x16: {  	[sflag:s12] =	ssyncadd.s32 $0xFFFFEC00  }
0x17: {  	[tilespmem:s3], [sflag:$0x5] =	stream.linear.gather [hbm4b:s6+s3], $0x5000, $0x38;
	[tilespmem:$0x1C000] =	vst v63  }
0x18: {  	_ =	swait.ge [sflag:s12], $0x5000  }
0x19: {  	[sflag:s12] =	ssyncset.done $0x0  }
0x1a: {  	[sflag:s12] =	ssyncadd.s32 $0xFFFFB000  }
0x1b: {  	[tilespmem:s13], [sflag:$0x5] =	stream.linear.gather [hbm4b:s7+s3], $0x5000, $0x38;
	[tilespmem:$0x1C000] =	vst v63  }
0x1c: {  	_ =	swait.ge [sflag:s12], $0x5000  }
0x1d: {  	[sflag:s12] =	ssyncset.done $0x0  }
0x1e: {  	[sflag:s12] =	ssyncadd.s32 $0xFFFFB000  }
0x1f: {  	[tilespmem:s15], [sflag:$0x1] =	stream.indirect.gather [hbm4b:s8+s14], $0x40, s3, s14, $0xb8;
	[tilespmem:$0x1C000] =	vst v63  }
0x20: {  	_ = 	snop  }
0x21: {  	[tilespmem:s16], [sflag:$0x2] =	stream.indirect.gather [hbm4b:s8+s14], $0x40, s14, s14, $0xb8;
	[tilespmem:$0x1C000] =	vst v63  }
0x22: {  	_ = 	snop  }
0x23: {  	[tilespmem:s18], [sflag:$0x3] =	stream.indirect.gather [hbm4b:s8+s14], $0x40, s17, s14, $0xb8;
	[tilespmem:$0x1C000] =	vst v63  }
0x24: {  	_ = 	snop  }
0x25: {  	[tilespmem:s20], [sflag:$0x4] =	stream.indirect.gather [hbm4b:s8+s14], $0x40, s19, s14, $0xb8;
	[tilespmem:$0x1C000] =	vst v63  }
0x26: {  	[bflag:$0x0] =	sbarrier.arrive $0xFFFF  }
0x27: {  	_ =	swait.ge [sflag:s21], $0x2000  }
0x28: {  	[sflag:s21] =	ssyncset.done $0x0  }
0x29: {  	s0 =	simm.s32 $0x5000;
	[sflag:s21] =	ssyncadd.s32 $0xFFFFE000  }
0x2a: {  	[spmem:s2] =	stream.indirect.scatter.add.f32 [tilespmem:s15], [sflag:$0x5], $0x40, s0, s14, $0xb8;
	[tilespmem:$0x1C000] =	vst v63  }
0x2b: {  	_ =	swait.ge [sflag:s12], $0x2000  }
0x2c: {  	[sflag:s12] =	ssyncset.done $0x0  }
0x2d: {  	s1 =	simm.s32 $0x200;
	[sflag:s12] =	ssyncadd.s32 $0xFFFFE000  }
0x2e: {  	[tilespmem:s15], [sflag:$0x1] =	stream.indirect.gather [hbm4b:s8+s14], $0x40, s1, s14, $0xb8;
	[tilespmem:$0x1C000] =	vst v63  }
0x2f: {  	_ =	swait.ge [sflag:s22], $0x2000  }
0x30: {  	[sflag:s22] =	ssyncset.done $0x0  }
0x31: {  	s1 =	simm.s32 $0x5080;
	[sflag:s22] =	ssyncadd.s32 $0xFFFFE000  }
0x32: {  	[spmem:s2] =	stream.indirect.scatter.add.f32 [tilespmem:s16], [sflag:$0x5], $0x40, s1, s14, $0xb8;
	[tilespmem:$0x1C000] =	vst v63  }
0x33: {  	_ =	swait.ge [sflag:s12], $0x2000  }
0x34: {  	[sflag:s12] =	ssyncset.done $0x0  }
0x35: {  	s1 =	simm.s32 $0x280;
	[sflag:s12] =	ssyncadd.s32 $0xFFFFE000  }
0x36: {  	[tilespmem:s16], [sflag:$0x2] =	stream.indirect.gather [hbm4b:s8+s14], $0x40, s1, s14, $0xb8;
	[tilespmem:$0x1C000] =	vst v63  }
0x37: {  	_ =	swait.ge [sflag:s23], $0x2000  }
0x38: {  	[sflag:s23] =	ssyncset.done $0x0  }
0x39: {  	s1 =	simm.s32 $0x5100;
	[sflag:s23] =	ssyncadd.s32 $0xFFFFE000  }
0x3a: {  	[spmem:s2] =	stream.indirect.scatter.add.f32 [tilespmem:s18], [sflag:$0x5], $0x40, s1, s14, $0xb8;
	[tilespmem:$0x1C000] =	vst v63  }
0x3b: {  	_ =	swait.ge [sflag:s12], $0x2000  }
0x3c: {  	[sflag:s12] =	ssyncset.done $0x0  }
0x3d: {  	s1 =	simm.s32 $0x300;
	[sflag:s12] =	ssyncadd.s32 $0xFFFFE000  }
0x3e: {  	[tilespmem:s18], [sflag:$0x3] =	stream.indirect.gather [hbm4b:s8+s14], $0x40, s1, s14, $0xb8;
	[tilespmem:$0x1C000] =	vst v63  }
0x3f: {  	_ =	swait.ge [sflag:s24], $0x2000  }
0x40: {  	[sflag:s24] =	ssyncset.done $0x0  }
0x41: {  	s1 =	simm.s32 $0x5180;
	[sflag:s24] =	ssyncadd.s32 $0xFFFFE000  }
0x42: {  	[spmem:s2] =	stream.indirect.scatter.add.f32 [tilespmem:s20], [sflag:$0x5], $0x40, s1, s14, $0xb8;
	[tilespmem:$0x1C000] =	vst v63  }
0x43: {  	_ =	swait.ge [sflag:s12], $0x2000  }
0x44: {  	[sflag:s12] =	ssyncset.done $0x0  }
0x45: {  	s31 =	simm.s32 $0x800;
	s0 =	simm.s32 $0x380;
	[sflag:s12] =	ssyncadd.s32 $0xFFFFE000  }
.LBB2_2:
0x46: {  	[tilespmem:s20], [sflag:$0x4] =	stream.indirect.gather [hbm4b:s8+s14], $0x40, s0, s14, $0xb8;
	[tilespmem:$0x1C000] =	vst v63  }
0x47: {  	s0 =	smov.u32 s31  }
0x48: {  	p0 =	sne.s32 s31, $0x13000;
	s31 =	sadd.s32 $0x800, s31;
	_ =	swait.ge [sflag:s21], $0x2000  }
0x49: {  	s0 =	sshra.s32 s0, $0x2;
	[sflag:s21] =	ssyncset.done $0x0  }
0x4a: {  	s1 =	sadd.s32 $0x5000, s0;
	[sflag:s21] =	ssyncadd.s32 $0xFFFFE000  }
0x4b: {  	[spmem:s2] =	stream.indirect.scatter.add.f32 [tilespmem:s15], [sflag:$0x5], $0x40, s1, s14, $0xb8;
	[tilespmem:$0x1C000] =	vst v63  }
0x4c: {  	_ =	swait.ge [sflag:s12], $0x2000  }
0x4d: {  	[sflag:s12] =	ssyncset.done $0x0  }
0x4e: {  	s1 =	sadd.s32 $0x200, s0;
	[sflag:s12] =	ssyncadd.s32 $0xFFFFE000  }
0x4f: {  	[tilespmem:s15], [sflag:$0x1] =	stream.indirect.gather [hbm4b:s8+s14], $0x40, s1, s14, $0xb8;
	[tilespmem:$0x1C000] =	vst v63  }
0x50: {  	_ =	swait.ge [sflag:s22], $0x2000  }
0x51: {  	[sflag:s22] =	ssyncset.done $0x0  }
0x52: {  	s1 =	sadd.s32 $0x5080, s0;
	[sflag:s22] =	ssyncadd.s32 $0xFFFFE000  }
0x53: {  	[spmem:s2] =	stream.indirect.scatter.add.f32 [tilespmem:s16], [sflag:$0x5], $0x40, s1, s14, $0xb8;
	[tilespmem:$0x1C000] =	vst v63  }
0x54: {  	_ =	swait.ge [sflag:s12], $0x2000  }
0x55: {  	[sflag:s12] =	ssyncset.done $0x0  }
0x56: {  	s1 =	sadd.s32 $0x280, s0;
	[sflag:s12] =	ssyncadd.s32 $0xFFFFE000  }
0x57: {  	[tilespmem:s16], [sflag:$0x2] =	stream.indirect.gather [hbm4b:s8+s14], $0x40, s1, s14, $0xb8;
	[tilespmem:$0x1C000] =	vst v63  }
0x58: {  	_ =	swait.ge [sflag:s23], $0x2000  }
0x59: {  	[sflag:s23] =	ssyncset.done $0x0  }
0x5a: {  	s1 =	sadd.s32 $0x5100, s0;
	[sflag:s23] =	ssyncadd.s32 $0xFFFFE000  }
0x5b: {  	[spmem:s2] =	stream.indirect.scatter.add.f32 [tilespmem:s18], [sflag:$0x5], $0x40, s1, s14, $0xb8;
	[tilespmem:$0x1C000] =	vst v63  }
0x5c: {  	_ =	swait.ge [sflag:s12], $0x2000  }
0x5d: {  	[sflag:s12] =	ssyncset.done $0x0  }
0x5e: {  	s1 =	sadd.s32 $0x300, s0;
	[sflag:s12] =	ssyncadd.s32 $0xFFFFE000  }
0x5f: {  	[tilespmem:s18], [sflag:$0x3] =	stream.indirect.gather [hbm4b:s8+s14], $0x40, s1, s14, $0xb8;
	[tilespmem:$0x1C000] =	vst v63  }
0x60: {  	_ =	swait.ge [sflag:s24], $0x2000  }
0x61: {  	[sflag:s24] =	ssyncset.done $0x0  }
.Ltmp0:
0x62: {  	s1 =	sadd.s32 $0x5180, s0;
	[sflag:s24] =	ssyncadd.s32 $0xFFFFE000;
	(pc) =	sbr.rel @p0 .LBB2_2-.Ltmp0, $4  }
0x63: {  	[spmem:s2] =	stream.indirect.scatter.add.f32 [tilespmem:s20], [sflag:$0x5], $0x40, s1, s14, $0xb8;
	[tilespmem:$0x1C000] =	vst v63  }
0x64: {  	_ =	swait.ge [sflag:s12], $0x2000  }
0x65: {  	[sflag:s12] =	ssyncset.done $0x0  }
0x66: {  	s0 =	sadd.s32 $0x380, s0;
	[sflag:s12] =	ssyncadd.s32 $0xFFFFE000  }
0x67: {  	[tilespmem:s20], [sflag:$0x4] =	stream.indirect.gather [hbm4b:s8+s14], $0x40, s0, s14, $0xb8;
	[tilespmem:$0x1C000] =	vst v63  }
0x68: {  	_ =	swait.ge [sflag:s21], $0x2000  }
0x69: {  	[sflag:s21] =	ssyncset.done $0x0  }
0x6a: {  	[sflag:s21] =	ssyncadd.s32 $0xFFFFE000  }
0x6b: {  	[spmem:s2] =	stream.indirect.scatter.add.f32 [tilespmem:s15], [sflag:$0x5], $0x40, s25, s14, $0xb8;
	[tilespmem:$0x1C000] =	vst v63  }
0x6c: {  	_ =	swait.ge [sflag:s12], $0x2000  }
0x6d: {  	[sflag:s12] =	ssyncset.done $0x0  }
0x6e: {  	[sflag:s12] =	ssyncadd.s32 $0xFFFFE000  }
0x6f: {  	_ =	swait.ge [sflag:s22], $0x2000  }
0x70: {  	[sflag:s22] =	ssyncset.done $0x0  }
0x71: {  	[sflag:s22] =	ssyncadd.s32 $0xFFFFE000  }
0x72: {  	[spmem:s2] =	stream.indirect.scatter.add.f32 [tilespmem:s16], [sflag:$0x5], $0x40, s26, s14, $0xb8;
	[tilespmem:$0x1C000] =	vst v63  }
0x73: {  	_ =	swait.ge [sflag:s12], $0x2000  }
0x74: {  	[sflag:s12] =	ssyncset.done $0x0  }
0x75: {  	[sflag:s12] =	ssyncadd.s32 $0xFFFFE000  }
0x76: {  	_ =	swait.ge [sflag:s23], $0x2000  }
0x77: {  	[sflag:s23] =	ssyncset.done $0x0  }
0x78: {  	[sflag:s23] =	ssyncadd.s32 $0xFFFFE000  }
0x79: {  	[spmem:s2] =	stream.indirect.scatter.add.f32 [tilespmem:s18], [sflag:$0x5], $0x40, s28, s14, $0xb8;
	[tilespmem:$0x1C000] =	vst v63  }
0x7a: {  	_ =	swait.ge [sflag:s12], $0x2000  }
0x7b: {  	[sflag:s12] =	ssyncset.done $0x0  }
0x7c: {  	[sflag:s12] =	ssyncadd.s32 $0xFFFFE000  }
0x7d: {  	_ =	swait.ge [sflag:s24], $0x2000  }
0x7e: {  	[sflag:s24] =	ssyncset.done $0x0  }
0x7f: {  	[sflag:s24] =	ssyncadd.s32 $0xFFFFE000  }
0x80: {  	[spmem:s2] =	stream.indirect.scatter.add.f32 [tilespmem:s20], [sflag:$0x5], $0x40, s29, s14, $0xb8;
	[tilespmem:$0x1C000] =	vst v63  }
0x81: {  	_ =	swait.ge [sflag:s12], $0x2000  }
0x82: {  	[sflag:s12] =	ssyncset.done $0x0  }
0x83: {  	s30 =	sadd.s32 $0x1, s30;
	[sflag:s12] =	ssyncadd.s32 $0xFFFFE000  }
0x84: {  	p0 =	sne.s32 s30, s10;
	[bflag:$0x0] =	sbarrier.arrive $0xFFFF  }
.Ltmp1:
0x85: {  	[bflag:$0x0] =	sbarrier.arrive $0xFFFF;
	(pc) =	sbr.rel @p0 .LBB2_1-.Ltmp1, $4  }
0x86: {  	[hbm:s9], [sflag:s5] =	dma.local [spmem:s11], $0x1400  }
0x87: {  	_ =	swait.ge [sflag:s12], $0x1400  }
0x88: {  	[sflag:s12] =	ssyncset.done $0x0  }
0x89: {  	[sflag:s12] =	ssyncadd.s32 $0xFFFFEC00  }
0x8a: {  	_ =	sfence.sel $0x180000  }
0x8b: {  	[bflag:$0x0] =	sbarrier.arrive $0xFFFF  }
0x8c: {  	_ =	strace $0x9000004A  }
0x8d: {  	s0 =	stileid.u32;
	[bflag:$0x2] =	sbarrier.arrive $0xFFFF  }
0x8e: {  	p0 =	sne.s32 s0, $0x0;
	s0 =	rddreg [dreg:$0x3]  }
0x8f: {  	s0 =	sadd.s32 @!p0 $0x100000, s0  }
0x90: {  	[sflag:s0] =	ssyncadd.tile.s32 @!p0 $0x1;
	_ =	shalt  }
.Lfunc_end2:
_tile_overlayer_lowered:
.L_overlay_start_2:
0x91: {  	(tag) =	ssettag $0x2  }
0x92: {  	s0 =	rddreg [dreg:$0x0];
	s2 =	stileid.u32  }
0x93: {  	s1 =	rddreg [dreg:$0x1];
	p0 =	sne.s32 s2, $0x0  }
0x94: {  	s3 =	rddreg [dreg:$0x2];
	[bflag:$0x3] =	sbarrier.arrive $0xFFFF;
	s2 =	simm.s32 @!p0 $0x1C05  }
0x95: {  	[timem:s3], [sflag:s2] =	dma.local @!p0 [hbm:s0], s1  }
0x96: {  	s0 =	simm.s32 @!p0 $0x5  }
0x97: {  	_ =	swait.ge @!p0 [sflag:s0], s1  }
0x98: {  	s1 =	ssub.s32 @!p0 $0x0, s1;
	[sflag:s0] =	ssyncset.done @!p0 $0x0  }
0x99: {  	[sflag:s0] =	ssyncadd.s32 @!p0 s1  }
0x9a: {  	[bflag:$0x3] =	sbarrier.arrive $0xFFFF  }
0x9b: {  	_ =	shalt  }

// kernel: kernel.14.cloned.1.call-start
scs
__scs_entry_jumppad:
0x0: {  	(pc) =	sbr.rel $0x88, $3  }
0x1: {  	(tag) =	ssettag $0x0;
	lr =	simm.s32 $0x1  }
0x2: {  	[smem:$0x3F9B] =	sst lr;
	_ =	strace $0xD0000000  }
0x3: {  	_ = 	snop  }
0x4: {  	_ = 	snop  }
0x5: {  	_ = 	snop  }
0x6: {  	_ = 	snop  }
0x7: {  	_ = 	snop  }
__scs_overlays_trampoline_lowered:
0x8: {  	[smem:$0x3FAA] =	sst s0  }
0x9: {  	[smem:$0x3FAB] =	sst s1  }
0xa: {  	[smem:$0x3FAC] =	sst s2  }
0xb: {  	[smem:$0x3FAD] =	sst s3  }
0xc: {  	[smem:$0x3FAE] =	sst s4  }
0xd: {  	[smem:$0x3FAF] =	sst s5  }
0xe: {  	[smem:$0x3FB0] =	sst s6  }
0xf: {  	[smem:$0x3FB1] =	sst s7  }
0x10: {  	[smem:$0x3FB2] =	sst s8  }
0x11: {  	[smem:$0x3FB3] =	sst s9;
	s0 =	simm.s32 @!p0 $0x0  }
0x12: {  	s1 =	sld [smem:$0x3F99];
	s0 =	simm.s32 @p0 $0x1  }
0x13: {  	[smem:$0x3FB4] =	sst s0;
	s0 =	simm.s32 @!p1 $0x0  }
0x14: {  	s2 =	sld [smem:$0x3F98];
	s0 =	simm.s32 @p1 $0x1  }
0x15: {  	[smem:$0x3FB5] =	sst s0;
	s0 =	simm.s32 @!p2 $0x0  }
0x16: {  	s3 =	sld [smem:$0x3FDB];
	s0 =	simm.s32 @p2 $0x1  }
0x17: {  	s4 =	simm.s32 $0x1BF5;
	[smem:$0x3FB7] =	sst s0  }
0x18: {  	s0 =	sld [smem:$0x3F9A];
	_ =	swait.ge [sflag:s4], $0x0  }
0x19: {  	s7 =	sld [smem:$0x3F9B]  }
0x1a: {  	s8 =	sadd.s32 $0xFFFFE003, lr  }
0x1b: {  	s9 =	sadd.s32 $0xFFFFFEF7, lr;
	s5 =	simm.s32 $0xFFFFFFFF;
	p2 =	slt.u32 s8, $0xFFFFF086  }
0x1c: {  	p1 =	slt.u32 s9, $0xF7A;
	s5 =	simm.s32 @!p2 $0x0  }
0x1d: {  	s5 =	simm.s32 @p1 $0x1;
	p0 =	seq.s32 s7, s2  }
0x1e: {  	s7 =	smul.u32 @!p0 $0xF7A, s2;
	p2 =	seq.s32 @!p0 s5, $0x0  }
0x1f: {  	s9 =	smul.u32 $0xF7A, s1;
	s8 =	simm.s32 @!p0 $0x1BF5;
	p2 =	por !p2, p0  }
0x20: {  	[sflag:s8] =	ssyncset.s32 @!p0 $0xFFFFF086;
	s6 =	sadd.s32 @!p0 s3, s7;
	s7 =	simm.s32 @!p0 $0x108  }
0x21: {  	s3 =	sadd.s32 s3, s9;
	s6 =	sadd.s32 @!p0 $0x88, s6;
	s7 =	simm.s32 @p2 $0x1082  }
0x22: {  	[simem:s7], [sflag:s8] =	dma.local @!p0 [hbm:s6], $0xF7A  }
0x23: {  	s9 =	sor.u32 $0xD0000000, s2;
	s6 =	simm.s32 $0x108;
	_ =	swait.ge @!p0 [sflag:s8], $0x0  }
0x24: {  	s3 =	sadd.s32 $0x88, s3;
	s6 =	simm.s32 @!p1 $0x1082;
	[sflag:s4] =	ssyncset.s32 $0xFFFFF086  }
0x25: {  	[simem:s6], [sflag:s4] =	dma.local [hbm:s3], $0xF7A  }
0x26: {  	[smem:$0x3F9B] =	sst s1;
	(tag) =	ssettag s2;
	_ =	strace s9  }
0x27: {  	s1 =	sld [smem:$0x3FAB]  }
0x28: {  	s2 =	sld [smem:$0x3FAC]  }
0x29: {  	s4 =	sld [smem:$0x3FAE]  }
0x2a: {  	p0 =	seq.s32 s5, $0x0;
	s5 =	sld [smem:$0x3FAF]  }
0x2b: {  	s6 =	sld [smem:$0x3FB0]  }
0x2c: {  	s7 =	sld [smem:$0x3FB1]  }
0x2d: {  	s3 =	simm.s32 $0x108;
	s8 =	sld [smem:$0x3FB2]  }
0x2e: {  	s3 =	simm.s32 @!p0 $0x1082;
	s9 =	sld [smem:$0x3FB3]  }
0x2f: {  	lr =	sadd.s32 s0, s3;
	s0 =	sld [smem:$0x3FAA]  }
0x30: {  	s3 =	sld [smem:$0x3FAD]  }
0x31: {  	[smem:$0x3FB6] =	sst s10  }
0x32: {  	s10 =	sld [smem:$0x3FB4];
	_ =	sdelay $0x3  }
0x33: {  	p0 =	seq.s32 s10, $0x1;
	s10 =	sld [smem:$0x3FB6];
	_ =	sdelay $0x3  }
0x34: {  	[smem:$0x3FB6] =	sst s10  }
0x35: {  	s10 =	sld [smem:$0x3FB5];
	_ =	sdelay $0x3  }
0x36: {  	p1 =	seq.s32 s10, $0x1;
	s10 =	sld [smem:$0x3FB6];
	_ =	sdelay $0x3  }
0x37: {  	[smem:$0x3FB6] =	sst s10  }
0x38: {  	s10 =	sld [smem:$0x3FB7]  }
0x39: {  	_ = 	snop;
	(pc) =	sbr.ind lr, $3  }
0x3a: {  	_ = 	snop  }
0x3b: {  	_ = 	snop  }
0x3c: {  	p2 =	seq.s32 s10, $0x1;
	s10 =	sld [smem:$0x3FB6]  }
0x3d: {  	_ =	shalt  }
0x3e: {  	_ =	shalt  }
0x3f: {  	_ =	shalt  }
0x40: {  	_ =	shalt  }
0x41: {  	_ =	shalt  }
0x42: {  	_ =	shalt  }
0x43: {  	_ =	shalt  }
0x44: {  	_ =	shalt  }
0x45: {  	_ =	shalt  }
0x46: {  	_ =	shalt  }
0x47: {  	_ =	shalt  }
0x48: {  	_ =	shalt  }
0x49: {  	_ =	shalt  }
0x4a: {  	_ =	shalt  }
0x4b: {  	_ =	shalt  }
0x4c: {  	_ =	shalt  }
0x4d: {  	_ =	shalt  }
0x4e: {  	_ =	shalt  }
0x4f: {  	_ =	shalt  }
0x50: {  	_ =	shalt  }
0x51: {  	_ =	shalt  }
0x52: {  	_ =	shalt  }
0x53: {  	_ =	shalt  }
0x54: {  	_ =	shalt  }
0x55: {  	_ =	shalt  }
0x56: {  	_ =	shalt  }
0x57: {  	_ =	shalt  }
0x58: {  	_ =	shalt  }
0x59: {  	_ =	shalt  }
0x5a: {  	_ =	shalt  }
0x5b: {  	_ =	shalt  }
0x5c: {  	_ =	shalt  }
0x5d: {  	_ =	shalt  }
0x5e: {  	_ =	shalt  }
0x5f: {  	_ =	shalt  }
0x60: {  	_ =	shalt  }
0x61: {  	_ =	shalt  }
0x62: {  	_ =	shalt  }
0x63: {  	_ =	shalt  }
0x64: {  	_ =	shalt  }
0x65: {  	_ =	shalt  }
0x66: {  	_ =	shalt  }
0x67: {  	_ =	shalt  }
0x68: {  	_ =	shalt  }
0x69: {  	_ =	shalt  }
0x6a: {  	_ =	shalt  }
0x6b: {  	_ =	shalt  }
0x6c: {  	_ =	shalt  }
0x6d: {  	_ =	shalt  }
0x6e: {  	_ =	shalt  }
0x6f: {  	_ =	shalt  }
0x70: {  	_ =	shalt  }
0x71: {  	_ =	shalt  }
0x72: {  	_ =	shalt  }
0x73: {  	_ =	shalt  }
0x74: {  	_ =	shalt  }
0x75: {  	_ =	shalt  }
0x76: {  	_ =	shalt  }
0x77: {  	_ =	shalt  }
0x78: {  	_ =	shalt  }
0x79: {  	_ =	shalt  }
0x7a: {  	_ =	shalt  }
0x7b: {  	_ =	shalt  }
0x7c: {  	_ =	shalt  }
0x7d: {  	_ =	shalt  }
0x7e: {  	_ =	shalt  }
0x7f: {  	_ =	shalt  }
0x80: {  	_ =	shalt  }
0x81: {  	_ =	shalt  }
0x82: {  	_ =	shalt  }
0x83: {  	_ =	shalt  }
0x84: {  	_ =	shalt  }
0x85: {  	_ =	shalt  }
0x86: {  	_ =	shalt  }
0x87: {  	_ =	shalt  }
.Lfunc_end0:
.L_simem_size_0:
called_computation.2_lowered:
.L_overlay_start_0:
0x88: {  	s2 =	sld [smem:$0x3FD9]  }
0x89: {  	s3 =	sld [smem:$0x3FFE];
	_ =	sdelay $0x1  }
0x8a: {  	s1 =	srdreg.scid  }
0x8b: {  	s0 =	sand.u32 $0x1, s1  }
0x8c: {  	s17 =	sshll.u32 s0, $0xA;
	s2 =	sadd.s32 s3, s2  }
0x8d: {  	s2 =	sadd.s32 s2, s17  }
0x8e: {  	[smem:$0x3FC2] =	sst s2  }
0x8f: {  	_ = 	snop  }
0x90: {  	s2 =	sld [smem:$0x3FD0];
	(tm) =	ssettm $0x1  }
0x91: {  	s18 =	sld [smem:$0x3FFB];
	_ =	sdelay $0x3  }
0x92: {  	_ =	strace s18  }
0x93: {  	s3 =	sld [smem:$0x3FFC];
	_ =	sdelay $0x3  }
0x94: {  	_ =	strace s3  }
0x95: {  	s3 =	sld [smem:$0x3FFD];
	_ =	sdelay $0x3  }
0x96: {  	_ =	strace s3  }
0x97: {  	_ =	strace $0x8FFFFFFF  }
0x98: {  	s19 =	sld [smem:$0x3FDB];
	_ =	sdelay $0x1  }
0x99: {  	s4 =	simm.s32 $_scs_section_size  }
0x9a: {  	s5 =	simm.s32 $_size__tile_overlayer_lowered;
	s6 =	simm.s32 $_tile_overlayer_lowered  }
0x9b: {  	s22 =	simm.s32 $0x1BFF;
	s21 =	sshll.u32 s6, $0x1;
	s3 =	sadd.s32 s4, s19  }
0x9c: {  	s7 =	simm.s32 $0x0;
	s20 =	sshll.u32 s5, $0x1;
	s5 =	sadd.s32 s21, s3  }
0x9d: {  	[timem:s7], [sflag:s22] =	dma.local [hbm:s5], s20  }
0x9e: {  	_ =	swait.ge [sflag:s22], s20  }
0x9f: {  	s4 =	ssub.s32 $0x0, s20;
	[sflag:s22] =	ssyncset.done $0x0  }
0xa0: {  	[sflag:s22] =	ssyncadd.s32 s4;
	_ =	sdelay $0x1  }
0xa1: {  	s23 =	simm.s32 $0x1B8B  }
0xa2: {  	_ =	swait.ge [sflag:s23], $0x1  }
0xa3: {  	[sflag:s23] =	ssyncset.done $0x0  }
0xa4: {  	s25 =	simm.s32 $0x1B8E;
	s24 =	sld [smem:$0x3FFE];
	[sflag:s23] =	ssyncadd.s32 $0xFFFFFFFF  }
0xa5: {  	s26 =	simm.s32 $execute0_lowered;
	[smem:$0x3FD2] =	sst s25  }
0xa6: {  	s5 =	sshll.u32 s26, $0x1;
	_ =	strace $0x8000004C;
	[dreg:$0x1] =	wrdreg $0xFFFFFFFF  }
0xa7: {  	s28 =	simm.s32 $_size_execute0_lowered;
	s3 =	sadd.s32 s3, s5;
	[dreg:$0x0] =	wrdreg $0x0  }
0xa8: {  	s5 =	sshll.u32 s28, $0x1;
	[dreg:$0x2] =	wrdreg s3  }
0xa9: {  	[dreg:$0x3] =	wrdreg s5  }
0xaa: {  	[dreg:$0x4] =	wrdreg $0xC0  }
0xab: {  	_ =	task [dreg:s7], $0x5FFFF  }
0xac: {  	[dreg:$0x1] =	wrdreg $0xFFFFFFFF  }
0xad: {  	[dreg:$0x0] =	wrdreg $0x60  }
0xae: {  	[dreg:$0x2] =	wrdreg s24  }
0xaf: {  	[dreg:$0x3] =	wrdreg s2  }
0xb0: {  	[dreg:$0x4] =	wrdreg $0x120000  }
0xb1: {  	[dreg:$0x5] =	wrdreg $0x9  }
0xb2: {  	_ =	task.clear_ibuf [dreg:s7], $0x6FFFF;
	_ =	strace $0x9000004C  }
0xb3: {  	s29 =	simm.s32 $0x9;
	_ =	strace $0x8000004E  }
0xb4: {  	_ =	swait.ge [sflag:s29], $0x1  }
0xb5: {  	[sflag:s29] =	ssyncadd.s32 $0xFFFFFFFF  }
0xb6: {  	_ =	strace $0x9000004E  }
0xb7: {  	_ =	sfence  }
0xb8: {  	s30 =	sld [smem:$0x0];
	_ =	sdelay $0x2  }
0xb9: {  	s31 =	sshll.u32 s1, $0xD;
	s1 =	sshrl.u32 s1, $0x2  }
0xba: {  	s3 =	sand.u32 $0x4000, s31;
	s1 =	sadd.s32 s1, s30  }
0xbb: {  	s0 =	sor.u32 s3, s0;
	s1 =	sshll.u32 s1, $0x11  }
0xbc: {  	s0 =	sor.u32 s1, s0  }
0xbd: {  	s0 =	sadd.s32 $0x8F2B, s0  }
0xbe: {  	[sflag:s0] =	ssyncadd.remote.s32 $0x1  }
0xbf: {  	_ =	sfence.sel $0xFFFF  }
0xc0: {  	[dreg:$0x0] =	wrdreg $0xFFFFFFFF;
	(pc) =	sbr.abs _section_cstart, $3  }
0xc1: {  	[dreg:$0x1] =	wrdreg $0xFFFFFFFF  }
0xc2: {  	_ =	task.clear_ibuf [dreg:s7], $0x2FFFF;
	_ =	strace $0x9FFFFFFF  }
0xc3: {  	(tm) =	ssettm $0x7FFFFFFF  }
tec
execute0_lowered:
.L_overlay_start_1:
0x0: {  	(tag) =	ssettag $0x1  }
0x1: {  	s0 =	rddreg [dreg:$0x0]  }
0x2: {  	s7 =	rddreg [dreg:$0x1]  }
0x3: {  	s1 =	srdreg.scid;
	s2 =	rddreg [dreg:$0x2]  }
0x4: {  	s26 =	stileid.u32;
	s3 =	simm.s32 $0x0;
	s14 =	simm.s32 $0x80  }
0x5: {  	s15 =	simm.s32 $0xA000;
	s16 =	simm.s32 $0xC000;
	s17 =	simm.s32 $0x100  }
0x6: {  	s18 =	simm.s32 $0xE000;
	s19 =	simm.s32 $0x180;
	s20 =	simm.s32 $0x10000  }
0x7: {  	s21 =	simm.s32 $0x1;
	s22 =	simm.s32 $0x2;
	s23 =	simm.s32 $0x3  }
0x8: {  	s24 =	simm.s32 $0x4;
	s25 =	simm.s32 $0x9E00;
	s28 =	simm.s32 $0x9F00  }
0x9: {  	s29 =	simm.s32 $0x9F80;
	s30 =	simm.s32 $0x0;
	s8 =	smul.u32 $0xA00, s26  }
0xa: {  	s5 =	sand.u32 $0x1, s1;
	[smem:$0x7FF] =	sst s3;
	s6 =	smul.u32 $0xA000, s26  }
0xb: {  	s12 =	sshll.u32 s26, $0x6;
	s26 =	simm.s32 $0x9E80;
	s4 =	smul.u32 $0xA0000, s5  }
0xc: {  	_ =	strace $0x8000004D;
	s5 =	ssub.s32 $0x2, s5;
	s10 =	sadd.s32 s8, s0  }
0xd: {  	s31 =	sshrl.u32 s5, $0x1;
	s13 =	sadd.s32 s6, s2;
	s7 =	sadd.s32 s7, s8  }
0xe: {  	s9 =	sshrl.u32 s4, $0x3;
	s11 =	sadd.s32 s6, s4;
	s4 =	sadd.s32 $0x2000, s0  }
0xf: {  	s6 =	sadd.s32 $0xC000, s10;
	s9 =	sadd.s32 s9, s0;
	s11 =	sshrl.u32 s11, $0x3  }
0x10: {  	s0 =	sadd.s32 s11, s0;
	s11 =	ssub.s32 s5, s31;
	s5 =	sor.u32 $0x1C05, s12  }
0x11: {  	s8 =	sadd.s32 $0x66000, s9;
	s12 =	simm.s32 $0x5;
	s9 =	sadd.s32 $0x8E000, s0  }
0x12: {  	s10 =	smax.u32 s11, $0x1;
	s11 =	sshrl.u32 s13, $0x3;
	s13 =	simm.s32 $0x5000  }
.LBB2_1:
0x13: {  	[spmem:s11], [sflag:s5] =	dma.local [hbm:s4], $0x1400  }
0x14: {  	_ =	swait.ge [sflag:s12], $0x1400  }
0x15: {  	[sflag:s12] =	ssyncset.done $0x0  }
0x16: {  	[sflag:s12] =	ssyncadd.s32 $0xFFFFEC00  }
0x17: {  	[tilespmem:s3], [sflag:$0x5] =	stream.linear.gather [hbm4b:s6+s3], $0x5000, $0x38;
	[tilespmem:$0x1C000] =	vst v63  }
0x18: {  	_ =	swait.ge [sflag:s12], $0x5000  }
0x19: {  	[sflag:s12] =	ssyncset.done $0x0  }
0x1a: {  	[sflag:s12] =	ssyncadd.s32 $0xFFFFB000  }
0x1b: {  	[tilespmem:s13], [sflag:$0x5] =	stream.linear.gather [hbm4b:s7+s3], $0x5000, $0x38;
	[tilespmem:$0x1C000] =	vst v63  }
0x1c: {  	_ =	swait.ge [sflag:s12], $0x5000  }
0x1d: {  	[sflag:s12] =	ssyncset.done $0x0  }
0x1e: {  	[sflag:s12] =	ssyncadd.s32 $0xFFFFB000  }
0x1f: {  	[tilespmem:s15], [sflag:$0x1] =	stream.indirect.gather [hbm4b:s8+s14], $0x40, s3, s14, $0xb8;
	[tilespmem:$0x1C000] =	vst v63  }
0x20: {  	_ = 	snop  }
0x21: {  	[tilespmem:s16], [sflag:$0x2] =	stream.indirect.gather [hbm4b:s8+s14], $0x40, s14, s14, $0xb8;
	[tilespmem:$0x1C000] =	vst v63  }
0x22: {  	_ = 	snop  }
0x23: {  	[tilespmem:s18], [sflag:$0x3] =	stream.indirect.gather [hbm4b:s8+s14], $0x40, s17, s14, $0xb8;
	[tilespmem:$0x1C000] =	vst v63  }
0x24: {  	_ = 	snop  }
0x25: {  	[tilespmem:s20], [sflag:$0x4] =	stream.indirect.gather [hbm4b:s8+s14], $0x40, s19, s14, $0xb8;
	[tilespmem:$0x1C000] =	vst v63  }
0x26: {  	[bflag:$0x0] =	sbarrier.arrive $0xFFFF  }
0x27: {  	_ =	swait.ge [sflag:s21], $0x2000  }
0x28: {  	[sflag:s21] =	ssyncset.done $0x0  }
0x29: {  	s0 =	simm.s32 $0x5000;
	[sflag:s21] =	ssyncadd.s32 $0xFFFFE000  }
0x2a: {  	[spmem:s2] =	stream.indirect.scatter.add.f32 [tilespmem:s15], [sflag:$0x5], $0x40, s0, s14, $0xb8;
	[tilespmem:$0x1C000] =	vst v63  }
0x2b: {  	_ =	swait.ge [sflag:s12], $0x2000  }
0x2c: {  	[sflag:s12] =	ssyncset.done $0x0  }
0x2d: {  	s1 =	simm.s32 $0x200;
	[sflag:s12] =	ssyncadd.s32 $0xFFFFE000  }
0x2e: {  	[tilespmem:s15], [sflag:$0x1] =	stream.indirect.gather [hbm4b:s8+s14], $0x40, s1, s14, $0xb8;
	[tilespmem:$0x1C000] =	vst v63  }
0x2f: {  	_ =	swait.ge [sflag:s22], $0x2000  }
0x30: {  	[sflag:s22] =	ssyncset.done $0x0  }
0x31: {  	s1 =	simm.s32 $0x5080;
	[sflag:s22] =	ssyncadd.s32 $0xFFFFE000  }
0x32: {  	[spmem:s2] =	stream.indirect.scatter.add.f32 [tilespmem:s16], [sflag:$0x5], $0x40, s1, s14, $0xb8;
	[tilespmem:$0x1C000] =	vst v63  }
0x33: {  	_ =	swait.ge [sflag:s12], $0x2000  }
0x34: {  	[sflag:s12] =	ssyncset.done $0x0  }
0x35: {  	s1 =	simm.s32 $0x280;
	[sflag:s12] =	ssyncadd.s32 $0xFFFFE000  }
0x36: {  	[tilespmem:s16], [sflag:$0x2] =	stream.indirect.gather [hbm4b:s8+s14], $0x40, s1, s14, $0xb8;
	[tilespmem:$0x1C000] =	vst v63  }
0x37: {  	_ =	swait.ge [sflag:s23], $0x2000  }
0x38: {  	[sflag:s23] =	ssyncset.done $0x0  }
0x39: {  	s1 =	simm.s32 $0x5100;
	[sflag:s23] =	ssyncadd.s32 $0xFFFFE000  }
0x3a: {  	[spmem:s2] =	stream.indirect.scatter.add.f32 [tilespmem:s18], [sflag:$0x5], $0x40, s1, s14, $0xb8;
	[tilespmem:$0x1C000] =	vst v63  }
0x3b: {  	_ =	swait.ge [sflag:s12], $0x2000  }
0x3c: {  	[sflag:s12] =	ssyncset.done $0x0  }
0x3d: {  	s1 =	simm.s32 $0x300;
	[sflag:s12] =	ssyncadd.s32 $0xFFFFE000  }
0x3e: {  	[tilespmem:s18], [sflag:$0x3] =	stream.indirect.gather [hbm4b:s8+s14], $0x40, s1, s14, $0xb8;
	[tilespmem:$0x1C000] =	vst v63  }
0x3f: {  	_ =	swait.ge [sflag:s24], $0x2000  }
0x40: {  	[sflag:s24] =	ssyncset.done $0x0  }
0x41: {  	s1 =	simm.s32 $0x5180;
	[sflag:s24] =	ssyncadd.s32 $0xFFFFE000  }
0x42: {  	[spmem:s2] =	stream.indirect.scatter.add.f32 [tilespmem:s20], [sflag:$0x5], $0x40, s1, s14, $0xb8;
	[tilespmem:$0x1C000] =	vst v63  }
0x43: {  	_ =	swait.ge [sflag:s12], $0x2000  }
0x44: {  	[sflag:s12] =	ssyncset.done $0x0  }
0x45: {  	s31 =	simm.s32 $0x800;
	s0 =	simm.s32 $0x380;
	[sflag:s12] =	ssyncadd.s32 $0xFFFFE000  }
.LBB2_2:
0x46: {  	[tilespmem:s20], [sflag:$0x4] =	stream.indirect.gather [hbm4b:s8+s14], $0x40, s0, s14, $0xb8;
	[tilespmem:$0x1C000] =	vst v63  }
0x47: {  	s0 =	smov.u32 s31  }
0x48: {  	p0 =	sne.s32 s31, $0x13000;
	s31 =	sadd.s32 $0x800, s31;
	_ =	swait.ge [sflag:s21], $0x2000  }
0x49: {  	s0 =	sshra.s32 s0, $0x2;
	[sflag:s21] =	ssyncset.done $0x0  }
0x4a: {  	s1 =	sadd.s32 $0x5000, s0;
	[sflag:s21] =	ssyncadd.s32 $0xFFFFE000  }
0x4b: {  	[spmem:s2] =	stream.indirect.scatter.add.f32 [tilespmem:s15], [sflag:$0x5], $0x40, s1, s14, $0xb8;
	[tilespmem:$0x1C000] =	vst v63  }
0x4c: {  	_ =	swait.ge [sflag:s12], $0x2000  }
0x4d: {  	[sflag:s12] =	ssyncset.done $0x0  }
0x4e: {  	s1 =	sadd.s32 $0x200, s0;
	[sflag:s12] =	ssyncadd.s32 $0xFFFFE000  }
0x4f: {  	[tilespmem:s15], [sflag:$0x1] =	stream.indirect.gather [hbm4b:s8+s14], $0x40, s1, s14, $0xb8;
	[tilespmem:$0x1C000] =	vst v63  }
0x50: {  	_ =	swait.ge [sflag:s22], $0x2000  }
0x51: {  	[sflag:s22] =	ssyncset.done $0x0  }
0x52: {  	s1 =	sadd.s32 $0x5080, s0;
	[sflag:s22] =	ssyncadd.s32 $0xFFFFE000  }
0x53: {  	[spmem:s2] =	stream.indirect.scatter.add.f32 [tilespmem:s16], [sflag:$0x5], $0x40, s1, s14, $0xb8;
	[tilespmem:$0x1C000] =	vst v63  }
0x54: {  	_ =	swait.ge [sflag:s12], $0x2000  }
0x55: {  	[sflag:s12] =	ssyncset.done $0x0  }
0x56: {  	s1 =	sadd.s32 $0x280, s0;
	[sflag:s12] =	ssyncadd.s32 $0xFFFFE000  }
0x57: {  	[tilespmem:s16], [sflag:$0x2] =	stream.indirect.gather [hbm4b:s8+s14], $0x40, s1, s14, $0xb8;
	[tilespmem:$0x1C000] =	vst v63  }
0x58: {  	_ =	swait.ge [sflag:s23], $0x2000  }
0x59: {  	[sflag:s23] =	ssyncset.done $0x0  }
0x5a: {  	s1 =	sadd.s32 $0x5100, s0;
	[sflag:s23] =	ssyncadd.s32 $0xFFFFE000  }
0x5b: {  	[spmem:s2] =	stream.indirect.scatter.add.f32 [tilespmem:s18], [sflag:$0x5], $0x40, s1, s14, $0xb8;
	[tilespmem:$0x1C000] =	vst v63  }
0x5c: {  	_ =	swait.ge [sflag:s12], $0x2000  }
0x5d: {  	[sflag:s12] =	ssyncset.done $0x0  }
0x5e: {  	s1 =	sadd.s32 $0x300, s0;
	[sflag:s12] =	ssyncadd.s32 $0xFFFFE000  }
0x5f: {  	[tilespmem:s18], [sflag:$0x3] =	stream.indirect.gather [hbm4b:s8+s14], $0x40, s1, s14, $0xb8;
	[tilespmem:$0x1C000] =	vst v63  }
0x60: {  	_ =	swait.ge [sflag:s24], $0x2000  }
0x61: {  	[sflag:s24] =	ssyncset.done $0x0  }
.Ltmp0:
0x62: {  	s1 =	sadd.s32 $0x5180, s0;
	[sflag:s24] =	ssyncadd.s32 $0xFFFFE000;
	(pc) =	sbr.rel @p0 .LBB2_2-.Ltmp0, $4  }
0x63: {  	[spmem:s2] =	stream.indirect.scatter.add.f32 [tilespmem:s20], [sflag:$0x5], $0x40, s1, s14, $0xb8;
	[tilespmem:$0x1C000] =	vst v63  }
0x64: {  	_ =	swait.ge [sflag:s12], $0x2000  }
0x65: {  	[sflag:s12] =	ssyncset.done $0x0  }
0x66: {  	s0 =	sadd.s32 $0x380, s0;
	[sflag:s12] =	ssyncadd.s32 $0xFFFFE000  }
0x67: {  	[tilespmem:s20], [sflag:$0x4] =	stream.indirect.gather [hbm4b:s8+s14], $0x40, s0, s14, $0xb8;
	[tilespmem:$0x1C000] =	vst v63  }
0x68: {  	_ =	swait.ge [sflag:s21], $0x2000  }
0x69: {  	[sflag:s21] =	ssyncset.done $0x0  }
0x6a: {  	[sflag:s21] =	ssyncadd.s32 $0xFFFFE000  }
0x6b: {  	[spmem:s2] =	stream.indirect.scatter.add.f32 [tilespmem:s15], [sflag:$0x5], $0x40, s25, s14, $0xb8;
	[tilespmem:$0x1C000] =	vst v63  }
0x6c: {  	_ =	swait.ge [sflag:s12], $0x2000  }
0x6d: {  	[sflag:s12] =	ssyncset.done $0x0  }
0x6e: {  	[sflag:s12] =	ssyncadd.s32 $0xFFFFE000  }
0x6f: {  	_ =	swait.ge [sflag:s22], $0x2000  }
0x70: {  	[sflag:s22] =	ssyncset.done $0x0  }
0x71: {  	[sflag:s22] =	ssyncadd.s32 $0xFFFFE000  }
0x72: {  	[spmem:s2] =	stream.indirect.scatter.add.f32 [tilespmem:s16], [sflag:$0x5], $0x40, s26, s14, $0xb8;
	[tilespmem:$0x1C000] =	vst v63  }
0x73: {  	_ =	swait.ge [sflag:s12], $0x2000  }
0x74: {  	[sflag:s12] =	ssyncset.done $0x0  }
0x75: {  	[sflag:s12] =	ssyncadd.s32 $0xFFFFE000  }
0x76: {  	_ =	swait.ge [sflag:s23], $0x2000  }
0x77: {  	[sflag:s23] =	ssyncset.done $0x0  }
0x78: {  	[sflag:s23] =	ssyncadd.s32 $0xFFFFE000  }
0x79: {  	[spmem:s2] =	stream.indirect.scatter.add.f32 [tilespmem:s18], [sflag:$0x5], $0x40, s28, s14, $0xb8;
	[tilespmem:$0x1C000] =	vst v63  }
0x7a: {  	_ =	swait.ge [sflag:s12], $0x2000  }
0x7b: {  	[sflag:s12] =	ssyncset.done $0x0  }
0x7c: {  	[sflag:s12] =	ssyncadd.s32 $0xFFFFE000  }
0x7d: {  	_ =	swait.ge [sflag:s24], $0x2000  }
0x7e: {  	[sflag:s24] =	ssyncset.done $0x0  }
0x7f: {  	[sflag:s24] =	ssyncadd.s32 $0xFFFFE000  }
0x80: {  	[spmem:s2] =	stream.indirect.scatter.add.f32 [tilespmem:s20], [sflag:$0x5], $0x40, s29, s14, $0xb8;
	[tilespmem:$0x1C000] =	vst v63  }
0x81: {  	_ =	swait.ge [sflag:s12], $0x2000  }
0x82: {  	[sflag:s12] =	ssyncset.done $0x0  }
0x83: {  	s30 =	sadd.s32 $0x1, s30;
	[sflag:s12] =	ssyncadd.s32 $0xFFFFE000  }
0x84: {  	p0 =	sne.s32 s30, s10;
	[bflag:$0x0] =	sbarrier.arrive $0xFFFF  }
.Ltmp1:
0x85: {  	[bflag:$0x0] =	sbarrier.arrive $0xFFFF;
	(pc) =	sbr.rel @p0 .LBB2_1-.Ltmp1, $4  }
0x86: {  	[hbm:s9], [sflag:s5] =	dma.local [spmem:s11], $0x1400  }
0x87: {  	_ =	swait.ge [sflag:s12], $0x1400  }
0x88: {  	[sflag:s12] =	ssyncset.done $0x0  }
0x89: {  	[sflag:s12] =	ssyncadd.s32 $0xFFFFEC00  }
0x8a: {  	_ =	sfence.sel $0x180000  }
0x8b: {  	[bflag:$0x0] =	sbarrier.arrive $0xFFFF  }
0x8c: {  	_ =	strace $0x9000004D  }
0x8d: {  	s0 =	stileid.u32;
	[bflag:$0x2] =	sbarrier.arrive $0xFFFF  }
0x8e: {  	p0 =	sne.s32 s0, $0x0;
	s0 =	rddreg [dreg:$0x3]  }
0x8f: {  	s0 =	sadd.s32 @!p0 $0x100000, s0  }
0x90: {  	[sflag:s0] =	ssyncadd.tile.s32 @!p0 $0x1;
	_ =	shalt  }
.Lfunc_end2:
_tile_overlayer_lowered:
.L_overlay_start_2:
0x91: {  	(tag) =	ssettag $0x2  }
0x92: {  	s0 =	rddreg [dreg:$0x0];
	s2 =	stileid.u32  }
0x93: {  	s1 =	rddreg [dreg:$0x1];
	p0 =	sne.s32 s2, $0x0  }
0x94: {  	s3 =	rddreg [dreg:$0x2];
	[bflag:$0x3] =	sbarrier.arrive $0xFFFF;
	s2 =	simm.s32 @!p0 $0x1C05  }
0x95: {  	[timem:s3], [sflag:s2] =	dma.local @!p0 [hbm:s0], s1  }
0x96: {  	s0 =	simm.s32 @!p0 $0x5  }
0x97: {  	_ =	swait.ge @!p0 [sflag:s0], s1  }
0x98: {  	s1 =	ssub.s32 @!p0 $0x0, s1;
	[sflag:s0] =	ssyncset.done @!p0 $0x0  }
0x99: {  	[sflag:s0] =	ssyncadd.s32 @!p0 s1  }
0x9a: {  	[bflag:$0x3] =	sbarrier.arrive $0xFFFF  }
0x9b: {  	_ =	shalt  }

// kernel: kernel.8.cloned.1.call-start
scs
__scs_entry_jumppad:
0x0: {  	(pc) =	sbr.rel $0x88, $3  }
0x1: {  	(tag) =	ssettag $0x0;
	lr =	simm.s32 $0x1  }
0x2: {  	[smem:$0x3F9B] =	sst lr;
	_ =	strace $0xD0000000  }
0x3: {  	_ = 	snop  }
0x4: {  	_ = 	snop  }
0x5: {  	_ = 	snop  }
0x6: {  	_ = 	snop  }
0x7: {  	_ = 	snop  }
__scs_overlays_trampoline_lowered:
0x8: {  	[smem:$0x3FAA] =	sst s0  }
0x9: {  	[smem:$0x3FAB] =	sst s1  }
0xa: {  	[smem:$0x3FAC] =	sst s2  }
0xb: {  	[smem:$0x3FAD] =	sst s3  }
0xc: {  	[smem:$0x3FAE] =	sst s4  }
0xd: {  	[smem:$0x3FAF] =	sst s5  }
0xe: {  	[smem:$0x3FB0] =	sst s6  }
0xf: {  	[smem:$0x3FB1] =	sst s7  }
0x10: {  	[smem:$0x3FB2] =	sst s8  }
0x11: {  	[smem:$0x3FB3] =	sst s9;
	s0 =	simm.s32 @!p0 $0x0  }
0x12: {  	s1 =	sld [smem:$0x3F99];
	s0 =	simm.s32 @p0 $0x1  }
0x13: {  	[smem:$0x3FB4] =	sst s0;
	s0 =	simm.s32 @!p1 $0x0  }
0x14: {  	s2 =	sld [smem:$0x3F98];
	s0 =	simm.s32 @p1 $0x1  }
0x15: {  	[smem:$0x3FB5] =	sst s0;
	s0 =	simm.s32 @!p2 $0x0  }
0x16: {  	s3 =	sld [smem:$0x3FDB];
	s0 =	simm.s32 @p2 $0x1  }
0x17: {  	s4 =	simm.s32 $0x1BF5;
	[smem:$0x3FB7] =	sst s0  }
0x18: {  	s0 =	sld [smem:$0x3F9A];
	_ =	swait.ge [sflag:s4], $0x0  }
0x19: {  	s7 =	sld [smem:$0x3F9B]  }
0x1a: {  	s8 =	sadd.s32 $0xFFFFE003, lr  }
0x1b: {  	s9 =	sadd.s32 $0xFFFFFEF7, lr;
	s5 =	simm.s32 $0xFFFFFFFF;
	p2 =	slt.u32 s8, $0xFFFFF086  }
0x1c: {  	p1 =	slt.u32 s9, $0xF7A;
	s5 =	simm.s32 @!p2 $0x0  }
0x1d: {  	s5 =	simm.s32 @p1 $0x1;
	p0 =	seq.s32 s7, s2  }
0x1e: {  	s7 =	smul.u32 @!p0 $0xF7A, s2;
	p2 =	seq.s32 @!p0 s5, $0x0  }
0x1f: {  	s9 =	smul.u32 $0xF7A, s1;
	s8 =	simm.s32 @!p0 $0x1BF5;
	p2 =	por !p2, p0  }
0x20: {  	[sflag:s8] =	ssyncset.s32 @!p0 $0xFFFFF086;
	s6 =	sadd.s32 @!p0 s3, s7;
	s7 =	simm.s32 @!p0 $0x108  }
0x21: {  	s3 =	sadd.s32 s3, s9;
	s6 =	sadd.s32 @!p0 $0x88, s6;
	s7 =	simm.s32 @p2 $0x1082  }
0x22: {  	[simem:s7], [sflag:s8] =	dma.local @!p0 [hbm:s6], $0xF7A  }
0x23: {  	s9 =	sor.u32 $0xD0000000, s2;
	s6 =	simm.s32 $0x108;
	_ =	swait.ge @!p0 [sflag:s8], $0x0  }
0x24: {  	s3 =	sadd.s32 $0x88, s3;
	s6 =	simm.s32 @!p1 $0x1082;
	[sflag:s4] =	ssyncset.s32 $0xFFFFF086  }
0x25: {  	[simem:s6], [sflag:s4] =	dma.local [hbm:s3], $0xF7A  }
0x26: {  	[smem:$0x3F9B] =	sst s1;
	(tag) =	ssettag s2;
	_ =	strace s9  }
0x27: {  	s1 =	sld [smem:$0x3FAB]  }
0x28: {  	s2 =	sld [smem:$0x3FAC]  }
0x29: {  	s4 =	sld [smem:$0x3FAE]  }
0x2a: {  	p0 =	seq.s32 s5, $0x0;
	s5 =	sld [smem:$0x3FAF]  }
0x2b: {  	s6 =	sld [smem:$0x3FB0]  }
0x2c: {  	s7 =	sld [smem:$0x3FB1]  }
0x2d: {  	s3 =	simm.s32 $0x108;
	s8 =	sld [smem:$0x3FB2]  }
0x2e: {  	s3 =	simm.s32 @!p0 $0x1082;
	s9 =	sld [smem:$0x3FB3]  }
0x2f: {  	lr =	sadd.s32 s0, s3;
	s0 =	sld [smem:$0x3FAA]  }
0x30: {  	s3 =	sld [smem:$0x3FAD]  }
0x31: {  	[smem:$0x3FB6] =	sst s10  }
0x32: {  	s10 =	sld [smem:$0x3FB4];
	_ =	sdelay $0x3  }
0x33: {  	p0 =	seq.s32 s10, $0x1;
	s10 =	sld [smem:$0x3FB6];
	_ =	sdelay $0x3  }
0x34: {  	[smem:$0x3FB6] =	sst s10  }
0x35: {  	s10 =	sld [smem:$0x3FB5];
	_ =	sdelay $0x3  }
0x36: {  	p1 =	seq.s32 s10, $0x1;
	s10 =	sld [smem:$0x3FB6];
	_ =	sdelay $0x3  }
0x37: {  	[smem:$0x3FB6] =	sst s10  }
0x38: {  	s10 =	sld [smem:$0x3FB7]  }
0x39: {  	_ = 	snop;
	(pc) =	sbr.ind lr, $3  }
0x3a: {  	_ = 	snop  }
0x3b: {  	_ = 	snop  }
0x3c: {  	p2 =	seq.s32 s10, $0x1;
	s10 =	sld [smem:$0x3FB6]  }
0x3d: {  	_ =	shalt  }
0x3e: {  	_ =	shalt  }
0x3f: {  	_ =	shalt  }
0x40: {  	_ =	shalt  }
0x41: {  	_ =	shalt  }
0x42: {  	_ =	shalt  }
0x43: {  	_ =	shalt  }
0x44: {  	_ =	shalt  }
0x45: {  	_ =	shalt  }
0x46: {  	_ =	shalt  }
0x47: {  	_ =	shalt  }
0x48: {  	_ =	shalt  }
0x49: {  	_ =	shalt  }
0x4a: {  	_ =	shalt  }
0x4b: {  	_ =	shalt  }
0x4c: {  	_ =	shalt  }
0x4d: {  	_ =	shalt  }
0x4e: {  	_ =	shalt  }
0x4f: {  	_ =	shalt  }
0x50: {  	_ =	shalt  }
0x51: {  	_ =	shalt  }
0x52: {  	_ =	shalt  }
0x53: {  	_ =	shalt  }
0x54: {  	_ =	shalt  }
0x55: {  	_ =	shalt  }
0x56: {  	_ =	shalt  }
0x57: {  	_ =	shalt  }
0x58: {  	_ =	shalt  }
0x59: {  	_ =	shalt  }
0x5a: {  	_ =	shalt  }
0x5b: {  	_ =	shalt  }
0x5c: {  	_ =	shalt  }
0x5d: {  	_ =	shalt  }
0x5e: {  	_ =	shalt  }
0x5f: {  	_ =	shalt  }
0x60: {  	_ =	shalt  }
0x61: {  	_ =	shalt  }
0x62: {  	_ =	shalt  }
0x63: {  	_ =	shalt  }
0x64: {  	_ =	shalt  }
0x65: {  	_ =	shalt  }
0x66: {  	_ =	shalt  }
0x67: {  	_ =	shalt  }
0x68: {  	_ =	shalt  }
0x69: {  	_ =	shalt  }
0x6a: {  	_ =	shalt  }
0x6b: {  	_ =	shalt  }
0x6c: {  	_ =	shalt  }
0x6d: {  	_ =	shalt  }
0x6e: {  	_ =	shalt  }
0x6f: {  	_ =	shalt  }
0x70: {  	_ =	shalt  }
0x71: {  	_ =	shalt  }
0x72: {  	_ =	shalt  }
0x73: {  	_ =	shalt  }
0x74: {  	_ =	shalt  }
0x75: {  	_ =	shalt  }
0x76: {  	_ =	shalt  }
0x77: {  	_ =	shalt  }
0x78: {  	_ =	shalt  }
0x79: {  	_ =	shalt  }
0x7a: {  	_ =	shalt  }
0x7b: {  	_ =	shalt  }
0x7c: {  	_ =	shalt  }
0x7d: {  	_ =	shalt  }
0x7e: {  	_ =	shalt  }
0x7f: {  	_ =	shalt  }
0x80: {  	_ =	shalt  }
0x81: {  	_ =	shalt  }
0x82: {  	_ =	shalt  }
0x83: {  	_ =	shalt  }
0x84: {  	_ =	shalt  }
0x85: {  	_ =	shalt  }
0x86: {  	_ =	shalt  }
0x87: {  	_ =	shalt  }
.Lfunc_end0:
.L_simem_size_0:
called_computation_lowered:
.L_overlay_start_0:
0x88: {  	s2 =	sld [smem:$0x3FD9]  }
0x89: {  	s3 =	sld [smem:$0x3FFE];
	_ =	sdelay $0x1  }
0x8a: {  	s1 =	srdreg.scid  }
0x8b: {  	s0 =	sand.u32 $0x1, s1  }
0x8c: {  	s17 =	sshll.u32 s0, $0xA;
	s2 =	sadd.s32 s3, s2  }
0x8d: {  	s2 =	sadd.s32 s2, s17  }
0x8e: {  	[smem:$0x3FC2] =	sst s2  }
0x8f: {  	_ = 	snop  }
0x90: {  	s2 =	sld [smem:$0x3FD0];
	(tm) =	ssettm $0x1  }
0x91: {  	s18 =	sld [smem:$0x3FFB];
	_ =	sdelay $0x3  }
0x92: {  	_ =	strace s18  }
0x93: {  	s3 =	sld [smem:$0x3FFC];
	_ =	sdelay $0x3  }
0x94: {  	_ =	strace s3  }
0x95: {  	s3 =	sld [smem:$0x3FFD];
	_ =	sdelay $0x3  }
0x96: {  	_ =	strace s3  }
0x97: {  	_ =	strace $0x8FFFFFFF  }
0x98: {  	s19 =	sld [smem:$0x3FDB];
	_ =	sdelay $0x1  }
0x99: {  	s4 =	simm.s32 $_scs_section_size  }
0x9a: {  	s5 =	simm.s32 $_size__tile_overlayer_lowered;
	s6 =	simm.s32 $_tile_overlayer_lowered  }
0x9b: {  	s22 =	simm.s32 $0x1BFF;
	s21 =	sshll.u32 s6, $0x1;
	s3 =	sadd.s32 s4, s19  }
0x9c: {  	s7 =	simm.s32 $0x0;
	s20 =	sshll.u32 s5, $0x1;
	s5 =	sadd.s32 s21, s3  }
0x9d: {  	[timem:s7], [sflag:s22] =	dma.local [hbm:s5], s20  }
0x9e: {  	_ =	swait.ge [sflag:s22], s20  }
0x9f: {  	s4 =	ssub.s32 $0x0, s20;
	[sflag:s22] =	ssyncset.done $0x0  }
0xa0: {  	[sflag:s22] =	ssyncadd.s32 s4;
	_ =	sdelay $0x1  }
0xa1: {  	s23 =	simm.s32 $0x1B8B  }
0xa2: {  	_ =	swait.ge [sflag:s23], $0x1  }
0xa3: {  	[sflag:s23] =	ssyncset.done $0x0  }
0xa4: {  	s25 =	simm.s32 $0x1B8E;
	s24 =	sld [smem:$0x3FFE];
	[sflag:s23] =	ssyncadd.s32 $0xFFFFFFFF  }
0xa5: {  	s26 =	simm.s32 $execute0_lowered;
	[smem:$0x3FD2] =	sst s25  }
0xa6: {  	s5 =	sshll.u32 s26, $0x1;
	_ =	strace $0x80000046;
	[dreg:$0x1] =	wrdreg $0xFFFFFFFF  }
0xa7: {  	s28 =	simm.s32 $_size_execute0_lowered;
	s3 =	sadd.s32 s3, s5;
	[dreg:$0x0] =	wrdreg $0x0  }
0xa8: {  	s5 =	sshll.u32 s28, $0x1;
	[dreg:$0x2] =	wrdreg s3  }
0xa9: {  	[dreg:$0x3] =	wrdreg s5  }
0xaa: {  	[dreg:$0x4] =	wrdreg $0xC0  }
0xab: {  	_ =	task [dreg:s7], $0x5FFFF  }
0xac: {  	[dreg:$0x1] =	wrdreg $0xFFFFFFFF  }
0xad: {  	[dreg:$0x0] =	wrdreg $0x60  }
0xae: {  	[dreg:$0x2] =	wrdreg s2  }
0xaf: {  	[dreg:$0x3] =	wrdreg s24  }
0xb0: {  	[dreg:$0x4] =	wrdreg $0x9  }
0xb1: {  	_ =	task.clear_ibuf [dreg:s7], $0x5FFFF;
	_ =	strace $0x90000046  }
0xb2: {  	s29 =	simm.s32 $0x9;
	_ =	strace $0x80000048  }
0xb3: {  	_ =	swait.ge [sflag:s29], $0x1  }
0xb4: {  	[sflag:s29] =	ssyncadd.s32 $0xFFFFFFFF  }
0xb5: {  	_ =	strace $0x90000048  }
0xb6: {  	_ =	sfence  }
0xb7: {  	s30 =	sld [smem:$0x0];
	_ =	sdelay $0x2  }
0xb8: {  	s31 =	sshll.u32 s1, $0xD;
	s1 =	sshrl.u32 s1, $0x2  }
0xb9: {  	s3 =	sand.u32 $0x4000, s31;
	s1 =	sadd.s32 s1, s30  }
0xba: {  	s0 =	sor.u32 s3, s0;
	s1 =	sshll.u32 s1, $0x11  }
0xbb: {  	s0 =	sor.u32 s1, s0  }
0xbc: {  	s0 =	sadd.s32 $0x8F2B, s0  }
0xbd: {  	[sflag:s0] =	ssyncadd.remote.s32 $0x1  }
0xbe: {  	_ =	sfence.sel $0xFFFF  }
0xbf: {  	[dreg:$0x0] =	wrdreg $0xFFFFFFFF;
	(pc) =	sbr.abs _section_cstart, $3  }
0xc0: {  	[dreg:$0x1] =	wrdreg $0xFFFFFFFF  }
0xc1: {  	_ =	task.clear_ibuf [dreg:s7], $0x2FFFF;
	_ =	strace $0x9FFFFFFF  }
0xc2: {  	(tm) =	ssettm $0x7FFFFFFF  }
0xc3: {  	_ =	shalt  }
tec
execute0_lowered:
.L_overlay_start_1:
0x0: {  	(tag) =	ssettag $0x1  }
0x1: {  	s0 =	srdreg.scid  }
0x2: {  	s3 =	sand.u32 $0x1, s0  }
0x3: {  	s0 =	stileid.u32;
	s1 =	sshll.u32 s3, $0x4  }
0x4: {  	s5 =	rddreg [dreg:$0x0];
	s4 =	sor.u32 s0, s1  }
0x5: {  	s6 =	rddreg [dreg:$0x1];
	s2 =	simm.s32 $0x0;
	s1 =	sshrl.u32 s4, $0x3  }
0x6: {  	s9 =	simm.s32 $0x400;
	s8 =	sshll.u32 s0, $0x7;
	s7 =	smul.u32 $0x14000, s1  }
0x7: {  	s10 =	simm.s32 $0x0;
	s3 =	ssub.s32 $0x2, s3;
	s8 =	sand.u32 $0x380, s8  }
0x8: {  	[smem:$0x7FF] =	sst s2;
	s31 =	sshrl.u32 s3, $0x1;
	s7 =	sor.u32 s8, s7  }
0x9: {  	s4 =	smul.u32 $0x500, s4;
	s1 =	rddreg [dreg:$0x2];
	s7 =	sshrl.u32 s7, $0x3  }
0xa: {  	_ =	strace $0x80000047;
	s8 =	simm.s32 $0x80;
	s6 =	sadd.s32 s7, s6  }
0xb: {  	s7 =	ssub.s32 s3, s31;
	s3 =	sadd.s32 s5, s4;
	s4 =	sadd.s32 $0x2000, s6  }
0xc: {  	v0 =	vimm.f32 $0.0e+00;
	v1 =	vimm.f32 $1.000000000e+00;
	s5 =	smax.u32 s7, $0x1;
	s6 =	simm.s32 $0x1;
	s7 =	simm.s32 $0x2800  }
.LBB2_1:
0xd: {  	[tilespmem:s2], [sflag:$0x1] =	stream.linear.gather [hbm4b:s3+s2], $0x2800, $0x38;
	[tilespmem:$0x5000] =	vst v63  }
0xe: {  	_ =	swait.ge [sflag:s6], $0x2800  }
0xf: {  	[sflag:s6] =	ssyncset.done $0x0  }
0x10: {  	s11 =	simm.s32 $0x0;
	[sflag:s6] =	ssyncadd.s32 $0xFFFFD800  }
.LBB2_2:
0x11: {  	p0 =	sne.s32 s11, $0x9FC0  }
.Ltmp0:
0x12: {  	_ = 	snop;
	(pc) =	sbr.rel @p0 .LBB2_2-.Ltmp0, $3  }
0x13: {  	_ =	sdelay $0x1  }
0x14: {  	s12 =	sshra.s32 s11, $0x2  }
0x15: {  	s11 =	sadd.s32 $0x40, s11;
	[tilespmem:s12+$0x2800] =	vst v0  }
0x16: {  	s12 =	simm.s32 $0x0;
	s11 =	simm.s32 $0x40  }
.LBB2_4:
0x17: {  	p0 =	sne.s32 s11, $0x9FC0;
	v2 =	vld [tilespmem:s12+$0x0];
	_ =	sdelay $0x3  }
.Ltmp1:
0x18: {  	(pc) =	sbr.rel @p0 .LBB2_4-.Ltmp1, $2  }
0x19: {  	_ =	sdelay $0x2  }
0x1a: {  	s12 =	sshra.s32 s11, $0x2;
	s11 =	sadd.s32 $0x40, s11;
	[tilespmem:v2+s7+$0x0] =	vst.idx.add.f32.msk $0xffff, v1  }
0x1b: {  	v2 =	vld [tilespmem:s12+$0x0];
	_ =	sdelay $0x5  }
0x1c: {  	s10 =	sadd.s32 $0x1, s10  }
0x1d: {  	p0 =	sne.s32 s10, s5  }
.Ltmp2:
0x1e: {  	[tilespmem:v2+s7+$0x0] =	vst.idx.add.f32.msk $0xffff, v1;
	(pc) =	sbr.rel @p0 .LBB2_1-.Ltmp2, $4  }
0x1f: {  	[hbm4b:s4+s8] =	stream.strided.scatter [tilespmem:s7], [sflag:$0x1], $0x2800, s9, s8, $0x38;
	[tilespmem:$0x5000] =	vst v63  }
0x20: {  	_ =	swait.ge [sflag:s6], $0x2800  }
0x21: {  	[sflag:s6] =	ssyncset.done $0x0  }
0x22: {  	[sflag:s6] =	ssyncadd.s32 $0xFFFFD800  }
0x23: {  	_ =	sfence.sel $0x180000  }
0x24: {  	[bflag:$0x0] =	sbarrier.arrive $0xFFFF  }
0x25: {  	p0 =	sne.s32 s0, $0x0;
	_ =	strace $0x90000047  }
0x26: {  	s0 =	sadd.s32 @!p0 $0x100000, s1;
	[bflag:$0x2] =	sbarrier.arrive $0xFFFF  }
0x27: {  	[sflag:s0] =	ssyncadd.tile.s32 @!p0 $0x1;
	_ =	shalt  }
.Lfunc_end2:
_tile_overlayer_lowered:
.L_overlay_start_2:
0x28: {  	(tag) =	ssettag $0x2  }
0x29: {  	s0 =	rddreg [dreg:$0x0];
	s2 =	stileid.u32  }
0x2a: {  	s1 =	rddreg [dreg:$0x1];
	p0 =	sne.s32 s2, $0x0  }
0x2b: {  	s3 =	rddreg [dreg:$0x2];
	[bflag:$0x3] =	sbarrier.arrive $0xFFFF;
	s2 =	simm.s32 @!p0 $0x1C01  }
0x2c: {  	[timem:s3], [sflag:s2] =	dma.local @!p0 [hbm:s0], s1  }
0x2d: {  	s0 =	simm.s32 @!p0 $0x1  }
0x2e: {  	_ =	swait.ge @!p0 [sflag:s0], s1  }
0x2f: {  	s1 =	ssub.s32 @!p0 $0x0, s1;
	[sflag:s0] =	ssyncset.done @!p0 $0x0  }
0x30: {  	[sflag:s0] =	ssyncadd.s32 @!p0 s1  }
0x31: {  	[bflag:$0x3] =	sbarrier.arrive $0xFFFF  }
0x32: {  	_ =	shalt  }

</sc_bundles>
